<compile_context>
chip_gen: v7x
topology: tpu7x:2x2x1
jax: 0.10.2.dev20260603
libtpu: 0.0.44.dev20260713+nightly
codegen_flags: <defaults>
</compile_context>

<pallas_src>
import functools

import jax
import jax.numpy as jnp
from jax import lax
from jax.experimental import pallas as pl
from jax.experimental.pallas import tpu as pltpu
from jax.experimental.pallas import tpu_sc as plsc

_BS = 16384
_R = 8
_P = 18
_D = 64
_NV = 4
_ROWS = _BS * _R
_BLK = 2048
_NC = _NV * _P + 1
_NM = _NV * _P * _R + 1
_EPS = 1e-5


def _prep_body(rtT_ref, wrl_ref, brl_ref, posr_ref, vtT_ref, wtT_ref,
               bt_ref, g_ref, b_ref, mark_ref, pos_ref,
               r2_ref, cbig_ref, pack_ref, pos3_ref, ct_ref):
    r2_ref[:, :_D] = (
        jax.lax.dot_general(
            rtT_ref[...], wrl_ref[...], (((0,), (0,)), ((), ())),
            preferred_element_type=jnp.float32)
        + brl_ref[...] + posr_ref[...]
    )
    wtT = wtT_ref[...]
    vtT = vtT_ref[...]
    for p in range(_P):
        prod = jnp.dot(wtT[:, _D * p:_D * (p + 1)],
                       vtT[:, _NV * p:_NV * (p + 1)],
                       preferred_element_type=jnp.float32)
        for w in range(_NV):
            ct_ref[:, pl.ds(w * _P + p, 1)] = prod[:, w:w + 1]
    ct_ref[:, pl.ds(_NV * _P, 1)] = bt_ref[...]
    ct_v = jnp.concatenate([ct_ref[...]] * _R, axis=0)
    im = jax.lax.broadcasted_iota(jnp.int32, (_NC, _NM), 1)
    ik = jax.lax.broadcasted_iota(jnp.int32, (_NC, _NM), 0)
    col_k = jnp.where(im < _NM - 1,
                      (im // (_P * _R)) * _P + (im % (_P * _R)) // _R,
                      _NV * _P)
    e_sel = (ik == col_k).astype(jnp.float32)
    iq = jax.lax.broadcasted_iota(jnp.int32, (_R * _D, _NM), 0)
    im2 = jax.lax.broadcasted_iota(jnp.int32, (_R * _D, _NM), 1)
    msk = ((iq // _D) == (im2 % _R)) | (im2 == _NM - 1)
    cbig_ref[...] = jnp.dot(
        ct_v, e_sel, preferred_element_type=jnp.float32) * msk.astype(
            jnp.float32)
    pack_ref[...] = jnp.concatenate(
        [jnp.transpose(g_ref[...]), jnp.transpose(b_ref[...]),
         jnp.transpose(mark_ref[...])], axis=1)
    pos3_ref[...] = pos_ref[...].reshape(_R, _D, 1)


def _obj_body(props_ref, tr_ref, cbig_ref, pack_ref, pos_ref, out_ref):
    x = props_ref[...].reshape(_P * _R, -1)
    ones = jnp.ones((1, x.shape[1]), jnp.float32)
    a = jnp.concatenate(
        [(x == w).astype(jnp.float32) for w in range(_NV)] + [ones],
        axis=0)
    h_all = jnp.dot(cbig_ref[...], a, preferred_element_type=jnp.float32)
    g_c = pack_ref[:, 0:1]
    b_c = pack_ref[:, 1:2]
    mark_c = pack_ref[:, 2:3]
    for r in range(_R):
        hr = jnp.maximum(h_all[_D * r:_D * (r + 1), :], 0.0)
        mu = jnp.mean(hr, axis=0, keepdims=True)
        m2 = jnp.mean(hr * hr, axis=0, keepdims=True)
        var = jnp.maximum(m2 - mu * mu, 0.0)
        gi = g_c * jax.lax.rsqrt(var + _EPS)
        y = (hr - mu) * gi + b_c
        pad = tr_ref[r:r + 1, :] == -1
        out_ref[r] = jnp.where(pad, mark_c, y) + pos_ref[r]


def kernel(roleset, properties, thematic_roles, roleset_table, W_rl, b_rl,
           value_table, W_t, b_t, ln_gamma, ln_beta, pos_role, pos_obj,
           mark_absent):
    f32 = jnp.float32
    roleset = roleset.astype(jnp.int32)
    props3 = jnp.transpose(properties, (2, 1, 0))
    tr3 = jnp.transpose(thematic_roles, (1, 0))

    n_rs = roleset_table.shape[0]
    r2, cbig, pack, pos3 = pl.pallas_call(
        _prep_body,
        out_shape=[
            jax.ShapeDtypeStruct((n_rs, 128), f32),
            jax.ShapeDtypeStruct((_R * _D, _NM), f32),
            jax.ShapeDtypeStruct((_D, 3), f32),
            jax.ShapeDtypeStruct((_R, _D, 1), f32),
        ],
        scratch_shapes=[pltpu.VMEM((_D, _NC), f32)],
    )(roleset_table.T, W_rl, b_rl.reshape(1, _D), pos_role.reshape(1, _D),
      value_table.T, W_t.T, b_t.reshape(_D, 1), ln_gamma.reshape(1, _D),
      ln_beta.reshape(1, _D), mark_absent.reshape(1, _D),
      pos_obj.reshape(_R, _D))

    info = plsc.get_sparse_core_info()
    nc, ns = info.num_cores, info.num_subcores
    nw = nc * ns
    per_w = _BS // nw
    ch = 128
    n_ch = per_w // ch

    mesh = plsc.VectorSubcoreMesh(core_axis_name="c", subcore_axis_name="s")

    @functools.partial(
        pl.kernel,
        out_type=jax.ShapeDtypeStruct((_D, _BS), f32),
        mesh=mesh,
        scratch_types=[
            pltpu.VMEM((per_w,), jnp.int32),
            pltpu.VMEM((per_w, 128), f32),
            pltpu.VMEM((_D, per_w), f32),
            pltpu.SemaphoreType.DMA,
        ],
        compiler_params=pltpu.CompilerParams(needs_layout_passes=False),
    )
    def _role_gather(idx_hbm, tab_hbm, out_hbm, idx_v, rows_v, outT_v, sem):
        wid = lax.axis_index("s") * nc + lax.axis_index("c")
        base = wid * per_w
        pltpu.sync_copy(idx_hbm.at[pl.ds(base, per_w)], idx_v)
        cps = [
            pltpu.async_copy(
                tab_hbm.at[idx_v.at[pl.ds(j * ch, ch)]],
                rows_v.at[pl.ds(j * ch, ch)], sem)
            for j in range(n_ch)
        ]
        for cp in cps:
            cp.wait()

        def _col(d, carry):
            for c in range(per_w // 16):
                ridx = lax.iota(jnp.int32, 16) + c * 16
                cidx = jnp.zeros((16,), jnp.int32) + d
                outT_v[d, pl.ds(c * 16, 16)] = plsc.load_gather(
                    rows_v, [ridx, cidx])
            return carry

        lax.fori_loop(0, _D, _col, 0)
        pltpu.sync_copy(outT_v, out_hbm.at[:, pl.ds(base, per_w)])

    role_emb = _role_gather(roleset, r2).T

    out3 = pl.pallas_call(
        _obj_body,
        grid=(_BS // _BLK,),
        in_specs=[
            pl.BlockSpec((_P, _R, _BLK), lambda i: (0, 0, i)),
            pl.BlockSpec((_R, _BLK), lambda i: (0, i)),
            pl.BlockSpec((_R * _D, _NM), lambda i: (0, 0)),
            pl.BlockSpec((_D, 3), lambda i: (0, 0)),
            pl.BlockSpec((_R, _D, 1), lambda i: (0, 0, 0)),
        ],
        out_specs=pl.BlockSpec((_R, _D, _BLK), lambda i: (0, 0, i)),
        out_shape=jax.ShapeDtypeStruct((_R, _D, _BS), f32),
        compiler_params=pltpu.CompilerParams(
            dimension_semantics=("arbitrary",)),
    )(props3, tr3, cbig, pack, pos3)

    padding = thematic_roles == -1
    return (role_emb, out3.transpose(2, 0, 1), padding)

# --- scband reference (transcript-rebuilt; emitter-appended) ---
"""Pipeline reference for scband-embedder-6493990551955 (READ-ONLY COPY).

The authoritative reference and input builder live on the scoring server;
editing this copy changes nothing except your own understanding.
"""

import jax, jax.numpy as jnp
import numpy as np

BS = 16384
DIM_EMB = 64
N_ROLES = 8
N_PROP = 18
N_ROLESETS = 1639
DIM_SMALL = 10


def _layernorm(x, gamma, beta, eps=1e-5):
    mu = jnp.mean(x, axis=-1, keepdims=True)
    var = jnp.var(x, axis=-1, keepdims=True)
    return (x - mu) / jnp.sqrt(var + eps) * gamma + beta


def setup_inputs(seed: int = 0) -> dict:
    key = jax.random.key(seed)
    ks = jax.random.split(key, 12)
    return {
        "roleset": jax.random.randint(ks[0], (BS,), 0, N_ROLESETS + 1, dtype=jnp.int64) if jax.config.jax_enable_x64 else jax.random.randint(ks[0], (BS,), 0, N_ROLESETS + 1).astype(jnp.int32),
        "properties": jax.random.randint(ks[1], (BS, N_ROLES, N_PROP), 0, 4),
        "thematic_roles": jax.random.randint(ks[2], (BS, N_ROLES), 0, 2),
        "roleset_table": jax.random.normal(ks[3], (N_ROLESETS + 1, DIM_SMALL), dtype=jnp.float32),
        "W_rl": jax.random.normal(ks[4], (DIM_SMALL, DIM_EMB), dtype=jnp.float32) * 0.1,
        "b_rl": jnp.zeros((DIM_EMB,), dtype=jnp.float32),
        "value_table": jax.random.normal(ks[5], (4 * N_PROP, DIM_EMB), dtype=jnp.float32),
        "W_t": jax.random.normal(ks[6], (N_PROP * DIM_EMB, DIM_EMB), dtype=jnp.float32) * 0.02,
        "b_t": jnp.zeros((DIM_EMB,), dtype=jnp.float32),
        "ln_gamma": jnp.ones((DIM_EMB,), dtype=jnp.float32),
        "ln_beta": jnp.zeros((DIM_EMB,), dtype=jnp.float32),
        "pos_role": jax.random.normal(ks[7], (1, DIM_EMB), dtype=jnp.float32),
        "pos_obj": jax.random.normal(ks[8], (1, N_ROLES, DIM_EMB), dtype=jnp.float32),
        "mark_absent": jax.random.normal(ks[9], (1, 1, DIM_EMB), dtype=jnp.float32),
    }


def reference(roleset, properties, thematic_roles, roleset_table, W_rl, b_rl,
              value_table, W_t, b_t, ln_gamma, ln_beta, pos_role, pos_obj,
              mark_absent):
    # roleset path: embedding lookup -> linear
    role_emb = jnp.take(roleset_table, roleset, axis=0)  # [BS, 10]
    role_emb = role_emb @ W_rl + b_rl                    # [BS, DIM_EMB]

    # properties path: offset indices into value table, gather, transform
    bs = properties.shape[0]
    idx_offset = jnp.arange(N_PROP) * 4                  # [18]
    idx = properties + idx_offset                        # [BS, R, 18]
    obj_emb = jnp.take(value_table, idx, axis=0)         # [BS, R, 18, D]
    reshaped = obj_emb.reshape(bs, N_ROLES, N_PROP * DIM_EMB)
    h = jax.nn.relu(reshaped @ W_t + b_t)                # [BS, R, D]
    obj_emb = _layernorm(h, ln_gamma, ln_beta)

    padding = (thematic_roles == -1)[:, :, None]         # [BS, R, 1] bool
    obj_emb = jnp.where(padding, 0.0, obj_emb)
    obj_emb = obj_emb + padding.astype(obj_emb.dtype) * mark_absent
    obj_emb = obj_emb + pos_obj
    role_emb = role_emb + pos_role
    return (role_emb, obj_emb, padding[:, :, 0])

if __name__ == "__main__":
    import jax
    _d = setup_inputs()
    print(jax.jit(kernel)(*tuple(_d.values())))

</pallas_src>

<mosaic_0001>
#map = affine_map<(d0, d1) -> (0)>
#map1 = affine_map<(d0, d1) -> (0, 0)>
module attributes {stable_mosaic.version = 14 : i64} {
  func.func @_role_gather(%arg0: i32, %arg1: i32, %arg2: memref<16384xi32, #tpu.memory_space<hbm>>, %arg3: memref<1640x128xf32, #tpu.memory_space<hbm>>, %arg4: memref<64x16384xf32, #tpu.memory_space<hbm>>, %arg5: memref<512xi32, #tpu.memory_space<vmem>>, %arg6: memref<512x128xf32, #tpu.memory_space<vmem>>, %arg7: memref<64x512xf32, #tpu.memory_space<vmem>>, %arg8: memref<!tpu.dma_semaphore, #tpu.memory_space<semaphore_mem>>) attributes {dimension_semantics = [#tpu.dimension_semantics<core_parallel>, #tpu.dimension_semantics<subcore_parallel>], iteration_bounds = array<i64: 2, 16>, scalar_prefetch = 0 : i64, scratch_operands = 4 : i64, tpu.core_type = #tpu.core_type<sc_vector_subcore>, window_params = [{transform_indices = #map}, {transform_indices = #map1}, {transform_indices = #map1}]} {
    %mul3A = arith.constant 2 : i32
    %mul3A_0 = arith.muli %arg1, %mul3A : i32
    %add3A = arith.addi %mul3A_0, %arg0 : i32
    %mul3A_1 = arith.constant 512 : i32
    %mul3A_2 = arith.muli %add3A, %mul3A_1 : i32
    "tpu.region"() ({
      %run_scoped3A = tpu.sem_alloc : memref<!tpu.dma_semaphore, #tpu.memory_space<semaphore_mem>>
      %dma_start3A_70 = tpu.memref_slice %arg2[%mul3A_2] : memref<16384xi32, #tpu.memory_space<hbm>> -> memref<512xi32, #tpu.memory_space<hbm>>
      %dma_start3A_71 = tpu.memref_slice %arg2[%mul3A_2] : memref<16384xi32, #tpu.memory_space<hbm>> -> memref<512xi32, #tpu.memory_space<hbm>>
      tpu.enqueue_dma source(%dma_start3A_71 : memref<512xi32, #tpu.memory_space<hbm>>) target(%arg5 : memref<512xi32, #tpu.memory_space<vmem>>) target_semaphore(%run_scoped3A : memref<!tpu.dma_semaphore, #tpu.memory_space<semaphore_mem>>)
      %dma_wait3A_72 = tpu.memref_slice %arg2[%mul3A_2] : memref<16384xi32, #tpu.memory_space<hbm>> -> memref<512xi32, #tpu.memory_space<hbm>>
      %dma_wait3A_73 = tpu.memref_slice %arg2[%mul3A_2] : memref<16384xi32, #tpu.memory_space<hbm>> -> memref<512xi32, #tpu.memory_space<hbm>>
      tpu.wait_dma2 semaphore(%run_scoped3A : memref<!tpu.dma_semaphore, #tpu.memory_space<semaphore_mem>>) src(%dma_wait3A_73 : memref<512xi32, #tpu.memory_space<hbm>>) dst(%arg5 : memref<512xi32, #tpu.memory_space<vmem>>)
      tpu.yield
    }) : () -> ()
    %dma_start3A = arith.constant 0 : i32
    %dma_start3A_3 = arith.constant 0 : i32
    %dma_start3A_4 = tpu.memref_slice %arg6[%dma_start3A, %dma_start3A_3] : memref<512x128xf32, #tpu.memory_space<vmem>> -> memref<128x128xf32, #tpu.memory_space<vmem>>
    %dma_start3A_5 = arith.constant 0 : i32
    %dma_start3A_6 = tpu.memref_slice %arg5[%dma_start3A_5] : memref<512xi32, #tpu.memory_space<vmem>> -> memref<128xi32, #tpu.memory_space<vmem>>
    %dma_start3A_7 = arith.constant 0 : i32
    %dma_start3A_8 = arith.constant 0 : i32
    %dma_start3A_9 = tpu.memref_slice %arg3[%dma_start3A_7, %dma_start3A_8] : memref<1640x128xf32, #tpu.memory_space<hbm>> -> memref<1640x128xf32, #tpu.memory_space<hbm>>
    tpu.enqueue_indirect_dma source(%dma_start3A_9 : memref<1640x128xf32, #tpu.memory_space<hbm>>) target(%dma_start3A_4 : memref<128x128xf32, #tpu.memory_space<vmem>>) offsets(%dma_start3A_6 : memref<128xi32, #tpu.memory_space<vmem>>) semaphore(%arg8 : memref<!tpu.dma_semaphore, #tpu.memory_space<semaphore_mem>>)
    %dma_start3A_10 = arith.constant 128 : i32
    %dma_start3A_11 = arith.constant 0 : i32
    %dma_start3A_12 = tpu.memref_slice %arg6[%dma_start3A_10, %dma_start3A_11] : memref<512x128xf32, #tpu.memory_space<vmem>> -> memref<128x128xf32, #tpu.memory_space<vmem>>
    %dma_start3A_13 = arith.constant 128 : i32
    %dma_start3A_14 = tpu.memref_slice %arg5[%dma_start3A_13] : memref<512xi32, #tpu.memory_space<vmem>> -> memref<128xi32, #tpu.memory_space<vmem>>
    %dma_start3A_15 = arith.constant 0 : i32
    %dma_start3A_16 = arith.constant 0 : i32
    %dma_start3A_17 = tpu.memref_slice %arg3[%dma_start3A_15, %dma_start3A_16] : memref<1640x128xf32, #tpu.memory_space<hbm>> -> memref<1640x128xf32, #tpu.memory_space<hbm>>
    tpu.enqueue_indirect_dma source(%dma_start3A_17 : memref<1640x128xf32, #tpu.memory_space<hbm>>) target(%dma_start3A_12 : memref<128x128xf32, #tpu.memory_space<vmem>>) offsets(%dma_start3A_14 : memref<128xi32, #tpu.memory_space<vmem>>) semaphore(%arg8 : memref<!tpu.dma_semaphore, #tpu.memory_space<semaphore_mem>>)
    %dma_start3A_18 = arith.constant 256 : i32
    %dma_start3A_19 = arith.constant 0 : i32
    %dma_start3A_20 = tpu.memref_slice %arg6[%dma_start3A_18, %dma_start3A_19] : memref<512x128xf32, #tpu.memory_space<vmem>> -> memref<128x128xf32, #tpu.memory_space<vmem>>
    %dma_start3A_21 = arith.constant 256 : i32
    %dma_start3A_22 = tpu.memref_slice %arg5[%dma_start3A_21] : memref<512xi32, #tpu.memory_space<vmem>> -> memref<128xi32, #tpu.memory_space<vmem>>
    %dma_start3A_23 = arith.constant 0 : i32
    %dma_start3A_24 = arith.constant 0 : i32
    %dma_start3A_25 = tpu.memref_slice %arg3[%dma_start3A_23, %dma_start3A_24] : memref<1640x128xf32, #tpu.memory_space<hbm>> -> memref<1640x128xf32, #tpu.memory_space<hbm>>
    tpu.enqueue_indirect_dma source(%dma_start3A_25 : memref<1640x128xf32, #tpu.memory_space<hbm>>) target(%dma_start3A_20 : memref<128x128xf32, #tpu.memory_space<vmem>>) offsets(%dma_start3A_22 : memref<128xi32, #tpu.memory_space<vmem>>) semaphore(%arg8 : memref<!tpu.dma_semaphore, #tpu.memory_space<semaphore_mem>>)
    %dma_start3A_26 = arith.constant 384 : i32
    %dma_start3A_27 = arith.constant 0 : i32
    %dma_start3A_28 = tpu.memref_slice %arg6[%dma_start3A_26, %dma_start3A_27] : memref<512x128xf32, #tpu.memory_space<vmem>> -> memref<128x128xf32, #tpu.memory_space<vmem>>
    %dma_start3A_29 = arith.constant 384 : i32
    %dma_start3A_30 = tpu.memref_slice %arg5[%dma_start3A_29] : memref<512xi32, #tpu.memory_space<vmem>> -> memref<128xi32, #tpu.memory_space<vmem>>
    %dma_start3A_31 = arith.constant 0 : i32
    %dma_start3A_32 = arith.constant 0 : i32
    %dma_start3A_33 = tpu.memref_slice %arg3[%dma_start3A_31, %dma_start3A_32] : memref<1640x128xf32, #tpu.memory_space<hbm>> -> memref<1640x128xf32, #tpu.memory_space<hbm>>
    tpu.enqueue_indirect_dma source(%dma_start3A_33 : memref<1640x128xf32, #tpu.memory_space<hbm>>) target(%dma_start3A_28 : memref<128x128xf32, #tpu.memory_space<vmem>>) offsets(%dma_start3A_30 : memref<128xi32, #tpu.memory_space<vmem>>) semaphore(%arg8 : memref<!tpu.dma_semaphore, #tpu.memory_space<semaphore_mem>>)
    %dma_wait3A = arith.constant 0 : i32
    %dma_wait3A_34 = arith.constant 0 : i32
    %dma_wait3A_35 = tpu.memref_slice %arg6[%dma_wait3A, %dma_wait3A_34] : memref<512x128xf32, #tpu.memory_space<vmem>> -> memref<128x128xf32, #tpu.memory_space<vmem>>
    %dma_wait3A_36 = arith.constant 0 : i32
    %dma_wait3A_37 = tpu.memref_slice %arg5[%dma_wait3A_36] : memref<512xi32, #tpu.memory_space<vmem>> -> memref<128xi32, #tpu.memory_space<vmem>>
    %dma_wait3A_38 = arith.constant 0 : i32
    %dma_wait3A_39 = arith.constant 0 : i32
    %dma_wait3A_40 = tpu.memref_slice %arg3[%dma_wait3A_38, %dma_wait3A_39] : memref<1640x128xf32, #tpu.memory_space<hbm>> -> memref<1640x128xf32, #tpu.memory_space<hbm>>
    tpu.wait_indirect_dma semaphore(%arg8 : memref<!tpu.dma_semaphore, #tpu.memory_space<semaphore_mem>>) src(%dma_wait3A_40 : memref<1640x128xf32, #tpu.memory_space<hbm>>) dst(%dma_wait3A_35 : memref<128x128xf32, #tpu.memory_space<vmem>>)
    %dma_wait3A_41 = arith.constant 128 : i32
    %dma_wait3A_42 = arith.constant 0 : i32
    %dma_wait3A_43 = tpu.memref_slice %arg6[%dma_wait3A_41, %dma_wait3A_42] : memref<512x128xf32, #tpu.memory_space<vmem>> -> memref<128x128xf32, #tpu.memory_space<vmem>>
    %dma_wait3A_44 = arith.constant 128 : i32
    %dma_wait3A_45 = tpu.memref_slice %arg5[%dma_wait3A_44] : memref<512xi32, #tpu.memory_space<vmem>> -> memref<128xi32, #tpu.memory_space<vmem>>
    %dma_wait3A_46 = arith.constant 0 : i32
    %dma_wait3A_47 = arith.constant 0 : i32
    %dma_wait3A_48 = tpu.memref_slice %arg3[%dma_wait3A_46, %dma_wait3A_47] : memref<1640x128xf32, #tpu.memory_space<hbm>> -> memref<1640x128xf32, #tpu.memory_space<hbm>>
    tpu.wait_indirect_dma semaphore(%arg8 : memref<!tpu.dma_semaphore, #tpu.memory_space<semaphore_mem>>) src(%dma_wait3A_48 : memref<1640x128xf32, #tpu.memory_space<hbm>>) dst(%dma_wait3A_43 : memref<128x128xf32, #tpu.memory_space<vmem>>)
    %dma_wait3A_49 = arith.constant 256 : i32
    %dma_wait3A_50 = arith.constant 0 : i32
    %dma_wait3A_51 = tpu.memref_slice %arg6[%dma_wait3A_49, %dma_wait3A_50] : memref<512x128xf32, #tpu.memory_space<vmem>> -> memref<128x128xf32, #tpu.memory_space<vmem>>
    %dma_wait3A_52 = arith.constant 256 : i32
    %dma_wait3A_53 = tpu.memref_slice %arg5[%dma_wait3A_52] : memref<512xi32, #tpu.memory_space<vmem>> -> memref<128xi32, #tpu.memory_space<vmem>>
    %dma_wait3A_54 = arith.constant 0 : i32
    %dma_wait3A_55 = arith.constant 0 : i32
    %dma_wait3A_56 = tpu.memref_slice %arg3[%dma_wait3A_54, %dma_wait3A_55] : memref<1640x128xf32, #tpu.memory_space<hbm>> -> memref<1640x128xf32, #tpu.memory_space<hbm>>
    tpu.wait_indirect_dma semaphore(%arg8 : memref<!tpu.dma_semaphore, #tpu.memory_space<semaphore_mem>>) src(%dma_wait3A_56 : memref<1640x128xf32, #tpu.memory_space<hbm>>) dst(%dma_wait3A_51 : memref<128x128xf32, #tpu.memory_space<vmem>>)
    %dma_wait3A_57 = arith.constant 384 : i32
    %dma_wait3A_58 = arith.constant 0 : i32
    %dma_wait3A_59 = tpu.memref_slice %arg6[%dma_wait3A_57, %dma_wait3A_58] : memref<512x128xf32, #tpu.memory_space<vmem>> -> memref<128x128xf32, #tpu.memory_space<vmem>>
    %dma_wait3A_60 = arith.constant 384 : i32
    %dma_wait3A_61 = tpu.memref_slice %arg5[%dma_wait3A_60] : memref<512xi32, #tpu.memory_space<vmem>> -> memref<128xi32, #tpu.memory_space<vmem>>
    %dma_wait3A_62 = arith.constant 0 : i32
    %dma_wait3A_63 = arith.constant 0 : i32
    %dma_wait3A_64 = tpu.memref_slice %arg3[%dma_wait3A_62, %dma_wait3A_63] : memref<1640x128xf32, #tpu.memory_space<hbm>> -> memref<1640x128xf32, #tpu.memory_space<hbm>>
    tpu.wait_indirect_dma semaphore(%arg8 : memref<!tpu.dma_semaphore, #tpu.memory_space<semaphore_mem>>) src(%dma_wait3A_64 : memref<1640x128xf32, #tpu.memory_space<hbm>>) dst(%dma_wait3A_59 : memref<128x128xf32, #tpu.memory_space<vmem>>)
    %scan3A = arith.constant 0 : i32
    %scan3A_65 = arith.constant 0 : i32
    %scan3A_66 = arith.constant 64 : i32
    %scan3A_67 = arith.addi %scan3A_65, %scan3A_66 : i32
    %scan3A_68 = arith.constant 1 : i32
    scf.for %scan3A_70 = %scan3A_65 to %scan3A_67 step %scan3A_68  : i32 {
      %iota3A = tpu.iota {dimensions = array<i32: 0>} : vector<16xi32>
      %add3A_71 = arith.constant 0 : i32
      %add3A_72 = vector.broadcast %add3A_71 : i32 to vector<16xi32>
      %add3A_73 = arith.addi %iota3A, %add3A_72 : vector<16xi32>
      %broadcast_in_dim3A = arith.constant 0 : i32
      %broadcast_in_dim3A_74 = vector.broadcast %broadcast_in_dim3A : i32 to vector<16xi32>
      %add3A_75 = vector.broadcast %scan3A_70 : i32 to vector<16xi32>
      %add3A_76 = arith.addi %broadcast_in_dim3A_74, %add3A_75 : vector<16xi32>
      %gather3A = tpu.vector_load_idx %arg6[%add3A_73, %add3A_76] : memref<512x128xf32, #tpu.memory_space<vmem>>[vector<16xi32>, vector<16xi32>], vector<16xf32>,
      %swap3A = arith.index_cast %scan3A_70 : i32 to index
      %swap3A_77 = arith.constant 0 : index
      %swap3A_78 = tpu.vector_load %arg7[%swap3A, %swap3A_77] {strides = array<i32>} : memref<64x512xf32, #tpu.memory_space<vmem>>, vector<16xf32>,
      tpu.vector_store %arg7[%swap3A, %swap3A_77], %gather3A {strides = array<i32>} : memref<64x512xf32, #tpu.memory_space<vmem>>, vector<16xf32>,
      %iota3A_79 = tpu.iota {dimensions = array<i32: 0>} : vector<16xi32>
      %add3A_80 = arith.constant 16 : i32
      %add3A_81 = vector.broadcast %add3A_80 : i32 to vector<16xi32>
      %add3A_82 = arith.addi %iota3A_79, %add3A_81 : vector<16xi32>
      %broadcast_in_dim3A_83 = arith.constant 0 : i32
      %broadcast_in_dim3A_84 = vector.broadcast %broadcast_in_dim3A_83 : i32 to vector<16xi32>
      %add3A_85 = vector.broadcast %scan3A_70 : i32 to vector<16xi32>
      %add3A_86 = arith.addi %broadcast_in_dim3A_84, %add3A_85 : vector<16xi32>
      %gather3A_87 = tpu.vector_load_idx %arg6[%add3A_82, %add3A_86] : memref<512x128xf32, #tpu.memory_space<vmem>>[vector<16xi32>, vector<16xi32>], vector<16xf32>,
      %swap3A_88 = arith.index_cast %scan3A_70 : i32 to index
      %swap3A_89 = arith.constant 16 : index
      %swap3A_90 = tpu.vector_load %arg7[%swap3A_88, %swap3A_89] {strides = array<i32>} : memref<64x512xf32, #tpu.memory_space<vmem>>, vector<16xf32>,
      tpu.vector_store %arg7[%swap3A_88, %swap3A_89], %gather3A_87 {strides = array<i32>} : memref<64x512xf32, #tpu.memory_space<vmem>>, vector<16xf32>,
      %iota3A_91 = tpu.iota {dimensions = array<i32: 0>} : vector<16xi32>
      %add3A_92 = arith.constant 32 : i32
      %add3A_93 = vector.broadcast %add3A_92 : i32 to vector<16xi32>
      %add3A_94 = arith.addi %iota3A_91, %add3A_93 : vector<16xi32>
      %broadcast_in_dim3A_95 = arith.constant 0 : i32
      %broadcast_in_dim3A_96 = vector.broadcast %broadcast_in_dim3A_95 : i32 to vector<16xi32>
      %add3A_97 = vector.broadcast %scan3A_70 : i32 to vector<16xi32>
      %add3A_98 = arith.addi %broadcast_in_dim3A_96, %add3A_97 : vector<16xi32>
      %gather3A_99 = tpu.vector_load_idx %arg6[%add3A_94, %add3A_98] : memref<512x128xf32, #tpu.memory_space<vmem>>[vector<16xi32>, vector<16xi32>], vector<16xf32>,
      %swap3A_100 = arith.index_cast %scan3A_70 : i32 to index
      %swap3A_101 = arith.constant 32 : index
      %swap3A_102 = tpu.vector_load %arg7[%swap3A_100, %swap3A_101] {strides = array<i32>} : memref<64x512xf32, #tpu.memory_space<vmem>>, vector<16xf32>,
      tpu.vector_store %arg7[%swap3A_100, %swap3A_101], %gather3A_99 {strides = array<i32>} : memref<64x512xf32, #tpu.memory_space<vmem>>, vector<16xf32>,
      %iota3A_103 = tpu.iota {dimensions = array<i32: 0>} : vector<16xi32>
      %add3A_104 = arith.constant 48 : i32
      %add3A_105 = vector.broadcast %add3A_104 : i32 to vector<16xi32>
      %add3A_106 = arith.addi %iota3A_103, %add3A_105 : vector<16xi32>
      %broadcast_in_dim3A_107 = arith.constant 0 : i32
      %broadcast_in_dim3A_108 = vector.broadcast %broadcast_in_dim3A_107 : i32 to vector<16xi32>
      %add3A_109 = vector.broadcast %scan3A_70 : i32 to vector<16xi32>
      %add3A_110 = arith.addi %broadcast_in_dim3A_108, %add3A_109 : vector<16xi32>
      %gather3A_111 = tpu.vector_load_idx %arg6[%add3A_106, %add3A_110] : memref<512x128xf32, #tpu.memory_space<vmem>>[vector<16xi32>, vector<16xi32>], vector<16xf32>,
      %swap3A_112 = arith.index_cast %scan3A_70 : i32 to index
      %swap3A_113 = arith.constant 48 : index
      %swap3A_114 = tpu.vector_load %arg7[%swap3A_112, %swap3A_113] {strides = array<i32>} : memref<64x512xf32, #tpu.memory_space<vmem>>, vector<16xf32>,
      tpu.vector_store %arg7[%swap3A_112, %swap3A_113], %gather3A_111 {strides = array<i32>} : memref<64x512xf32, #tpu.memory_space<vmem>>, vector<16xf32>,
      %iota3A_115 = tpu.iota {dimensions = array<i32: 0>} : vector<16xi32>
      %add3A_116 = arith.constant 64 : i32
      %add3A_117 = vector.broadcast %add3A_116 : i32 to vector<16xi32>
      %add3A_118 = arith.addi %iota3A_115, %add3A_117 : vector<16xi32>
      %broadcast_in_dim3A_119 = arith.constant 0 : i32
      %broadcast_in_dim3A_120 = vector.broadcast %broadcast_in_dim3A_119 : i32 to vector<16xi32>
      %add3A_121 = vector.broadcast %scan3A_70 : i32 to vector<16xi32>
      %add3A_122 = arith.addi %broadcast_in_dim3A_120, %add3A_121 : vector<16xi32>
      %gather3A_123 = tpu.vector_load_idx %arg6[%add3A_118, %add3A_122] : memref<512x128xf32, #tpu.memory_space<vmem>>[vector<16xi32>, vector<16xi32>], vector<16xf32>,
      %swap3A_124 = arith.index_cast %scan3A_70 : i32 to index
      %swap3A_125 = arith.constant 64 : index
      %swap3A_126 = tpu.vector_load %arg7[%swap3A_124, %swap3A_125] {strides = array<i32>} : memref<64x512xf32, #tpu.memory_space<vmem>>, vector<16xf32>,
      tpu.vector_store %arg7[%swap3A_124, %swap3A_125], %gather3A_123 {strides = array<i32>} : memref<64x512xf32, #tpu.memory_space<vmem>>, vector<16xf32>,
      %iota3A_127 = tpu.iota {dimensions = array<i32: 0>} : vector<16xi32>
      %add3A_128 = arith.constant 80 : i32
      %add3A_129 = vector.broadcast %add3A_128 : i32 to vector<16xi32>
      %add3A_130 = arith.addi %iota3A_127, %add3A_129 : vector<16xi32>
      %broadcast_in_dim3A_131 = arith.constant 0 : i32
      %broadcast_in_dim3A_132 = vector.broadcast %broadcast_in_dim3A_131 : i32 to vector<16xi32>
      %add3A_133 = vector.broadcast %scan3A_70 : i32 to vector<16xi32>
      %add3A_134 = arith.addi %broadcast_in_dim3A_132, %add3A_133 : vector<16xi32>
      %gather3A_135 = tpu.vector_load_idx %arg6[%add3A_130, %add3A_134] : memref<512x128xf32, #tpu.memory_space<vmem>>[vector<16xi32>, vector<16xi32>], vector<16xf32>,
      %swap3A_136 = arith.index_cast %scan3A_70 : i32 to index
      %swap3A_137 = arith.constant 80 : index
      %swap3A_138 = tpu.vector_load %arg7[%swap3A_136, %swap3A_137] {strides = array<i32>} : memref<64x512xf32, #tpu.memory_space<vmem>>, vector<16xf32>,
      tpu.vector_store %arg7[%swap3A_136, %swap3A_137], %gather3A_135 {strides = array<i32>} : memref<64x512xf32, #tpu.memory_space<vmem>>, vector<16xf32>,
      %iota3A_139 = tpu.iota {dimensions = array<i32: 0>} : vector<16xi32>
      %add3A_140 = arith.constant 96 : i32
      %add3A_141 = vector.broadcast %add3A_140 : i32 to vector<16xi32>
      %add3A_142 = arith.addi %iota3A_139, %add3A_141 : vector<16xi32>
      %broadcast_in_dim3A_143 = arith.constant 0 : i32
      %broadcast_in_dim3A_144 = vector.broadcast %broadcast_in_dim3A_143 : i32 to vector<16xi32>
      %add3A_145 = vector.broadcast %scan3A_70 : i32 to vector<16xi32>
      %add3A_146 = arith.addi %broadcast_in_dim3A_144, %add3A_145 : vector<16xi32>
      %gather3A_147 = tpu.vector_load_idx %arg6[%add3A_142, %add3A_146] : memref<512x128xf32, #tpu.memory_space<vmem>>[vector<16xi32>, vector<16xi32>], vector<16xf32>,
      %swap3A_148 = arith.index_cast %scan3A_70 : i32 to index
      %swap3A_149 = arith.constant 96 : index
      %swap3A_150 = tpu.vector_load %arg7[%swap3A_148, %swap3A_149] {strides = array<i32>} : memref<64x512xf32, #tpu.memory_space<vmem>>, vector<16xf32>,
      tpu.vector_store %arg7[%swap3A_148, %swap3A_149], %gather3A_147 {strides = array<i32>} : memref<64x512xf32, #tpu.memory_space<vmem>>, vector<16xf32>,
      %iota3A_151 = tpu.iota {dimensions = array<i32: 0>} : vector<16xi32>
      %add3A_152 = arith.constant 112 : i32
      %add3A_153 = vector.broadcast %add3A_152 : i32 to vector<16xi32>
      %add3A_154 = arith.addi %iota3A_151, %add3A_153 : vector<16xi32>
      %broadcast_in_dim3A_155 = arith.constant 0 : i32
      %broadcast_in_dim3A_156 = vector.broadcast %broadcast_in_dim3A_155 : i32 to vector<16xi32>
      %add3A_157 = vector.broadcast %scan3A_70 : i32 to vector<16xi32>
      %add3A_158 = arith.addi %broadcast_in_dim3A_156, %add3A_157 : vector<16xi32>
      %gather3A_159 = tpu.vector_load_idx %arg6[%add3A_154, %add3A_158] : memref<512x128xf32, #tpu.memory_space<vmem>>[vector<16xi32>, vector<16xi32>], vector<16xf32>,
      %swap3A_160 = arith.index_cast %scan3A_70 : i32 to index
      %swap3A_161 = arith.constant 112 : index
      %swap3A_162 = tpu.vector_load %arg7[%swap3A_160, %swap3A_161] {strides = array<i32>} : memref<64x512xf32, #tpu.memory_space<vmem>>, vector<16xf32>,
      tpu.vector_store %arg7[%swap3A_160, %swap3A_161], %gather3A_159 {strides = array<i32>} : memref<64x512xf32, #tpu.memory_space<vmem>>, vector<16xf32>,
      %iota3A_163 = tpu.iota {dimensions = array<i32: 0>} : vector<16xi32>
      %add3A_164 = arith.constant 128 : i32
      %add3A_165 = vector.broadcast %add3A_164 : i32 to vector<16xi32>
      %add3A_166 = arith.addi %iota3A_163, %add3A_165 : vector<16xi32>
      %broadcast_in_dim3A_167 = arith.constant 0 : i32
      %broadcast_in_dim3A_168 = vector.broadcast %broadcast_in_dim3A_167 : i32 to vector<16xi32>
      %add3A_169 = vector.broadcast %scan3A_70 : i32 to vector<16xi32>
      %add3A_170 = arith.addi %broadcast_in_dim3A_168, %add3A_169 : vector<16xi32>
      %gather3A_171 = tpu.vector_load_idx %arg6[%add3A_166, %add3A_170] : memref<512x128xf32, #tpu.memory_space<vmem>>[vector<16xi32>, vector<16xi32>], vector<16xf32>,
      %swap3A_172 = arith.index_cast %scan3A_70 : i32 to index
      %swap3A_173 = arith.constant 128 : index
      %swap3A_174 = tpu.vector_load %arg7[%swap3A_172, %swap3A_173] {strides = array<i32>} : memref<64x512xf32, #tpu.memory_space<vmem>>, vector<16xf32>,
      tpu.vector_store %arg7[%swap3A_172, %swap3A_173], %gather3A_171 {strides = array<i32>} : memref<64x512xf32, #tpu.memory_space<vmem>>, vector<16xf32>,
      %iota3A_175 = tpu.iota {dimensions = array<i32: 0>} : vector<16xi32>
      %add3A_176 = arith.constant 144 : i32
      %add3A_177 = vector.broadcast %add3A_176 : i32 to vector<16xi32>
      %add3A_178 = arith.addi %iota3A_175, %add3A_177 : vector<16xi32>
      %broadcast_in_dim3A_179 = arith.constant 0 : i32
      %broadcast_in_dim3A_180 = vector.broadcast %broadcast_in_dim3A_179 : i32 to vector<16xi32>
      %add3A_181 = vector.broadcast %scan3A_70 : i32 to vector<16xi32>
      %add3A_182 = arith.addi %broadcast_in_dim3A_180, %add3A_181 : vector<16xi32>
      %gather3A_183 = tpu.vector_load_idx %arg6[%add3A_178, %add3A_182] : memref<512x128xf32, #tpu.memory_space<vmem>>[vector<16xi32>, vector<16xi32>], vector<16xf32>,
      %swap3A_184 = arith.index_cast %scan3A_70 : i32 to index
      %swap3A_185 = arith.constant 144 : index
      %swap3A_186 = tpu.vector_load %arg7[%swap3A_184, %swap3A_185] {strides = array<i32>} : memref<64x512xf32, #tpu.memory_space<vmem>>, vector<16xf32>,
      tpu.vector_store %arg7[%swap3A_184, %swap3A_185], %gather3A_183 {strides = array<i32>} : memref<64x512xf32, #tpu.memory_space<vmem>>, vector<16xf32>,
      %iota3A_187 = tpu.iota {dimensions = array<i32: 0>} : vector<16xi32>
      %add3A_188 = arith.constant 160 : i32
      %add3A_189 = vector.broadcast %add3A_188 : i32 to vector<16xi32>
      %add3A_190 = arith.addi %iota3A_187, %add3A_189 : vector<16xi32>
      %broadcast_in_dim3A_191 = arith.constant 0 : i32
      %broadcast_in_dim3A_192 = vector.broadcast %broadcast_in_dim3A_191 : i32 to vector<16xi32>
      %add3A_193 = vector.broadcast %scan3A_70 : i32 to vector<16xi32>
      %add3A_194 = arith.addi %broadcast_in_dim3A_192, %add3A_193 : vector<16xi32>
      %gather3A_195 = tpu.vector_load_idx %arg6[%add3A_190, %add3A_194] : memref<512x128xf32, #tpu.memory_space<vmem>>[vector<16xi32>, vector<16xi32>], vector<16xf32>,
      %swap3A_196 = arith.index_cast %scan3A_70 : i32 to index
      %swap3A_197 = arith.constant 160 : index
      %swap3A_198 = tpu.vector_load %arg7[%swap3A_196, %swap3A_197] {strides = array<i32>} : memref<64x512xf32, #tpu.memory_space<vmem>>, vector<16xf32>,
      tpu.vector_store %arg7[%swap3A_196, %swap3A_197], %gather3A_195 {strides = array<i32>} : memref<64x512xf32, #tpu.memory_space<vmem>>, vector<16xf32>,
      %iota3A_199 = tpu.iota {dimensions = array<i32: 0>} : vector<16xi32>
      %add3A_200 = arith.constant 176 : i32
      %add3A_201 = vector.broadcast %add3A_200 : i32 to vector<16xi32>
      %add3A_202 = arith.addi %iota3A_199, %add3A_201 : vector<16xi32>
      %broadcast_in_dim3A_203 = arith.constant 0 : i32
      %broadcast_in_dim3A_204 = vector.broadcast %broadcast_in_dim3A_203 : i32 to vector<16xi32>
      %add3A_205 = vector.broadcast %scan3A_70 : i32 to vector<16xi32>
      %add3A_206 = arith.addi %broadcast_in_dim3A_204, %add3A_205 : vector<16xi32>
      %gather3A_207 = tpu.vector_load_idx %arg6[%add3A_202, %add3A_206] : memref<512x128xf32, #tpu.memory_space<vmem>>[vector<16xi32>, vector<16xi32>], vector<16xf32>,
      %swap3A_208 = arith.index_cast %scan3A_70 : i32 to index
      %swap3A_209 = arith.constant 176 : index
      %swap3A_210 = tpu.vector_load %arg7[%swap3A_208, %swap3A_209] {strides = array<i32>} : memref<64x512xf32, #tpu.memory_space<vmem>>, vector<16xf32>,
      tpu.vector_store %arg7[%swap3A_208, %swap3A_209], %gather3A_207 {strides = array<i32>} : memref<64x512xf32, #tpu.memory_space<vmem>>, vector<16xf32>,
      %iota3A_211 = tpu.iota {dimensions = array<i32: 0>} : vector<16xi32>
      %add3A_212 = arith.constant 192 : i32
      %add3A_213 = vector.broadcast %add3A_212 : i32 to vector<16xi32>
      %add3A_214 = arith.addi %iota3A_211, %add3A_213 : vector<16xi32>
      %broadcast_in_dim3A_215 = arith.constant 0 : i32
      %broadcast_in_dim3A_216 = vector.broadcast %broadcast_in_dim3A_215 : i32 to vector<16xi32>
      %add3A_217 = vector.broadcast %scan3A_70 : i32 to vector<16xi32>
      %add3A_218 = arith.addi %broadcast_in_dim3A_216, %add3A_217 : vector<16xi32>
      %gather3A_219 = tpu.vector_load_idx %arg6[%add3A_214, %add3A_218] : memref<512x128xf32, #tpu.memory_space<vmem>>[vector<16xi32>, vector<16xi32>], vector<16xf32>,
      %swap3A_220 = arith.index_cast %scan3A_70 : i32 to index
      %swap3A_221 = arith.constant 192 : index
      %swap3A_222 = tpu.vector_load %arg7[%swap3A_220, %swap3A_221] {strides = array<i32>} : memref<64x512xf32, #tpu.memory_space<vmem>>, vector<16xf32>,
      tpu.vector_store %arg7[%swap3A_220, %swap3A_221], %gather3A_219 {strides = array<i32>} : memref<64x512xf32, #tpu.memory_space<vmem>>, vector<16xf32>,
      %iota3A_223 = tpu.iota {dimensions = array<i32: 0>} : vector<16xi32>
      %add3A_224 = arith.constant 208 : i32
      %add3A_225 = vector.broadcast %add3A_224 : i32 to vector<16xi32>
      %add3A_226 = arith.addi %iota3A_223, %add3A_225 : vector<16xi32>
      %broadcast_in_dim3A_227 = arith.constant 0 : i32
      %broadcast_in_dim3A_228 = vector.broadcast %broadcast_in_dim3A_227 : i32 to vector<16xi32>
      %add3A_229 = vector.broadcast %scan3A_70 : i32 to vector<16xi32>
      %add3A_230 = arith.addi %broadcast_in_dim3A_228, %add3A_229 : vector<16xi32>
      %gather3A_231 = tpu.vector_load_idx %arg6[%add3A_226, %add3A_230] : memref<512x128xf32, #tpu.memory_space<vmem>>[vector<16xi32>, vector<16xi32>], vector<16xf32>,
      %swap3A_232 = arith.index_cast %scan3A_70 : i32 to index
      %swap3A_233 = arith.constant 208 : index
      %swap3A_234 = tpu.vector_load %arg7[%swap3A_232, %swap3A_233] {strides = array<i32>} : memref<64x512xf32, #tpu.memory_space<vmem>>, vector<16xf32>,
      tpu.vector_store %arg7[%swap3A_232, %swap3A_233], %gather3A_231 {strides = array<i32>} : memref<64x512xf32, #tpu.memory_space<vmem>>, vector<16xf32>,
      %iota3A_235 = tpu.iota {dimensions = array<i32: 0>} : vector<16xi32>
      %add3A_236 = arith.constant 224 : i32
      %add3A_237 = vector.broadcast %add3A_236 : i32 to vector<16xi32>
      %add3A_238 = arith.addi %iota3A_235, %add3A_237 : vector<16xi32>
      %broadcast_in_dim3A_239 = arith.constant 0 : i32
      %broadcast_in_dim3A_240 = vector.broadcast %broadcast_in_dim3A_239 : i32 to vector<16xi32>
      %add3A_241 = vector.broadcast %scan3A_70 : i32 to vector<16xi32>
      %add3A_242 = arith.addi %broadcast_in_dim3A_240, %add3A_241 : vector<16xi32>
      %gather3A_243 = tpu.vector_load_idx %arg6[%add3A_238, %add3A_242] : memref<512x128xf32, #tpu.memory_space<vmem>>[vector<16xi32>, vector<16xi32>], vector<16xf32>,
      %swap3A_244 = arith.index_cast %scan3A_70 : i32 to index
      %swap3A_245 = arith.constant 224 : index
      %swap3A_246 = tpu.vector_load %arg7[%swap3A_244, %swap3A_245] {strides = array<i32>} : memref<64x512xf32, #tpu.memory_space<vmem>>, vector<16xf32>,
      tpu.vector_store %arg7[%swap3A_244, %swap3A_245], %gather3A_243 {strides = array<i32>} : memref<64x512xf32, #tpu.memory_space<vmem>>, vector<16xf32>,
      %iota3A_247 = tpu.iota {dimensions = array<i32: 0>} : vector<16xi32>
      %add3A_248 = arith.constant 240 : i32
      %add3A_249 = vector.broadcast %add3A_248 : i32 to vector<16xi32>
      %add3A_250 = arith.addi %iota3A_247, %add3A_249 : vector<16xi32>
      %broadcast_in_dim3A_251 = arith.constant 0 : i32
      %broadcast_in_dim3A_252 = vector.broadcast %broadcast_in_dim3A_251 : i32 to vector<16xi32>
      %add3A_253 = vector.broadcast %scan3A_70 : i32 to vector<16xi32>
      %add3A_254 = arith.addi %broadcast_in_dim3A_252, %add3A_253 : vector<16xi32>
      %gather3A_255 = tpu.vector_load_idx %arg6[%add3A_250, %add3A_254] : memref<512x128xf32, #tpu.memory_space<vmem>>[vector<16xi32>, vector<16xi32>], vector<16xf32>,
      %swap3A_256 = arith.index_cast %scan3A_70 : i32 to index
      %swap3A_257 = arith.constant 240 : index
      %swap3A_258 = tpu.vector_load %arg7[%swap3A_256, %swap3A_257] {strides = array<i32>} : memref<64x512xf32, #tpu.memory_space<vmem>>, vector<16xf32>,
      tpu.vector_store %arg7[%swap3A_256, %swap3A_257], %gather3A_255 {strides = array<i32>} : memref<64x512xf32, #tpu.memory_space<vmem>>, vector<16xf32>,
      %iota3A_259 = tpu.iota {dimensions = array<i32: 0>} : vector<16xi32>
      %add3A_260 = arith.constant 256 : i32
      %add3A_261 = vector.broadcast %add3A_260 : i32 to vector<16xi32>
      %add3A_262 = arith.addi %iota3A_259, %add3A_261 : vector<16xi32>
      %broadcast_in_dim3A_263 = arith.constant 0 : i32
      %broadcast_in_dim3A_264 = vector.broadcast %broadcast_in_dim3A_263 : i32 to vector<16xi32>
      %add3A_265 = vector.broadcast %scan3A_70 : i32 to vector<16xi32>
      %add3A_266 = arith.addi %broadcast_in_dim3A_264, %add3A_265 : vector<16xi32>
      %gather3A_267 = tpu.vector_load_idx %arg6[%add3A_262, %add3A_266] : memref<512x128xf32, #tpu.memory_space<vmem>>[vector<16xi32>, vector<16xi32>], vector<16xf32>,
      %swap3A_268 = arith.index_cast %scan3A_70 : i32 to index
      %swap3A_269 = arith.constant 256 : index
      %swap3A_270 = tpu.vector_load %arg7[%swap3A_268, %swap3A_269] {strides = array<i32>} : memref<64x512xf32, #tpu.memory_space<vmem>>, vector<16xf32>,
      tpu.vector_store %arg7[%swap3A_268, %swap3A_269], %gather3A_267 {strides = array<i32>} : memref<64x512xf32, #tpu.memory_space<vmem>>, vector<16xf32>,
      %iota3A_271 = tpu.iota {dimensions = array<i32: 0>} : vector<16xi32>
      %add3A_272 = arith.constant 272 : i32
      %add3A_273 = vector.broadcast %add3A_272 : i32 to vector<16xi32>
      %add3A_274 = arith.addi %iota3A_271, %add3A_273 : vector<16xi32>
      %broadcast_in_dim3A_275 = arith.constant 0 : i32
      %broadcast_in_dim3A_276 = vector.broadcast %broadcast_in_dim3A_275 : i32 to vector<16xi32>
      %add3A_277 = vector.broadcast %scan3A_70 : i32 to vector<16xi32>
      %add3A_278 = arith.addi %broadcast_in_dim3A_276, %add3A_277 : vector<16xi32>
      %gather3A_279 = tpu.vector_load_idx %arg6[%add3A_274, %add3A_278] : memref<512x128xf32, #tpu.memory_space<vmem>>[vector<16xi32>, vector<16xi32>], vector<16xf32>,
      %swap3A_280 = arith.index_cast %scan3A_70 : i32 to index
      %swap3A_281 = arith.constant 272 : index
      %swap3A_282 = tpu.vector_load %arg7[%swap3A_280, %swap3A_281] {strides = array<i32>} : memref<64x512xf32, #tpu.memory_space<vmem>>, vector<16xf32>,
      tpu.vector_store %arg7[%swap3A_280, %swap3A_281], %gather3A_279 {strides = array<i32>} : memref<64x512xf32, #tpu.memory_space<vmem>>, vector<16xf32>,
      %iota3A_283 = tpu.iota {dimensions = array<i32: 0>} : vector<16xi32>
      %add3A_284 = arith.constant 288 : i32
      %add3A_285 = vector.broadcast %add3A_284 : i32 to vector<16xi32>
      %add3A_286 = arith.addi %iota3A_283, %add3A_285 : vector<16xi32>
      %broadcast_in_dim3A_287 = arith.constant 0 : i32
      %broadcast_in_dim3A_288 = vector.broadcast %broadcast_in_dim3A_287 : i32 to vector<16xi32>
      %add3A_289 = vector.broadcast %scan3A_70 : i32 to vector<16xi32>
      %add3A_290 = arith.addi %broadcast_in_dim3A_288, %add3A_289 : vector<16xi32>
      %gather3A_291 = tpu.vector_load_idx %arg6[%add3A_286, %add3A_290] : memref<512x128xf32, #tpu.memory_space<vmem>>[vector<16xi32>, vector<16xi32>], vector<16xf32>,
      %swap3A_292 = arith.index_cast %scan3A_70 : i32 to index
      %swap3A_293 = arith.constant 288 : index
      %swap3A_294 = tpu.vector_load %arg7[%swap3A_292, %swap3A_293] {strides = array<i32>} : memref<64x512xf32, #tpu.memory_space<vmem>>, vector<16xf32>,
      tpu.vector_store %arg7[%swap3A_292, %swap3A_293], %gather3A_291 {strides = array<i32>} : memref<64x512xf32, #tpu.memory_space<vmem>>, vector<16xf32>,
      %iota3A_295 = tpu.iota {dimensions = array<i32: 0>} : vector<16xi32>
      %add3A_296 = arith.constant 304 : i32
      %add3A_297 = vector.broadcast %add3A_296 : i32 to vector<16xi32>
      %add3A_298 = arith.addi %iota3A_295, %add3A_297 : vector<16xi32>
      %broadcast_in_dim3A_299 = arith.constant 0 : i32
      %broadcast_in_dim3A_300 = vector.broadcast %broadcast_in_dim3A_299 : i32 to vector<16xi32>
      %add3A_301 = vector.broadcast %scan3A_70 : i32 to vector<16xi32>
      %add3A_302 = arith.addi %broadcast_in_dim3A_300, %add3A_301 : vector<16xi32>
      %gather3A_303 = tpu.vector_load_idx %arg6[%add3A_298, %add3A_302] : memref<512x128xf32, #tpu.memory_space<vmem>>[vector<16xi32>, vector<16xi32>], vector<16xf32>,
      %swap3A_304 = arith.index_cast %scan3A_70 : i32 to index
      %swap3A_305 = arith.constant 304 : index
      %swap3A_306 = tpu.vector_load %arg7[%swap3A_304, %swap3A_305] {strides = array<i32>} : memref<64x512xf32, #tpu.memory_space<vmem>>, vector<16xf32>,
      tpu.vector_store %arg7[%swap3A_304, %swap3A_305], %gather3A_303 {strides = array<i32>} : memref<64x512xf32, #tpu.memory_space<vmem>>, vector<16xf32>,
      %iota3A_307 = tpu.iota {dimensions = array<i32: 0>} : vector<16xi32>
      %add3A_308 = arith.constant 320 : i32
      %add3A_309 = vector.broadcast %add3A_308 : i32 to vector<16xi32>
      %add3A_310 = arith.addi %iota3A_307, %add3A_309 : vector<16xi32>
      %broadcast_in_dim3A_311 = arith.constant 0 : i32
      %broadcast_in_dim3A_312 = vector.broadcast %broadcast_in_dim3A_311 : i32 to vector<16xi32>
      %add3A_313 = vector.broadcast %scan3A_70 : i32 to vector<16xi32>
      %add3A_314 = arith.addi %broadcast_in_dim3A_312, %add3A_313 : vector<16xi32>
      %gather3A_315 = tpu.vector_load_idx %arg6[%add3A_310, %add3A_314] : memref<512x128xf32, #tpu.memory_space<vmem>>[vector<16xi32>, vector<16xi32>], vector<16xf32>,
      %swap3A_316 = arith.index_cast %scan3A_70 : i32 to index
      %swap3A_317 = arith.constant 320 : index
      %swap3A_318 = tpu.vector_load %arg7[%swap3A_316, %swap3A_317] {strides = array<i32>} : memref<64x512xf32, #tpu.memory_space<vmem>>, vector<16xf32>,
      tpu.vector_store %arg7[%swap3A_316, %swap3A_317], %gather3A_315 {strides = array<i32>} : memref<64x512xf32, #tpu.memory_space<vmem>>, vector<16xf32>,
      %iota3A_319 = tpu.iota {dimensions = array<i32: 0>} : vector<16xi32>
      %add3A_320 = arith.constant 336 : i32
      %add3A_321 = vector.broadcast %add3A_320 : i32 to vector<16xi32>
      %add3A_322 = arith.addi %iota3A_319, %add3A_321 : vector<16xi32>
      %broadcast_in_dim3A_323 = arith.constant 0 : i32
      %broadcast_in_dim3A_324 = vector.broadcast %broadcast_in_dim3A_323 : i32 to vector<16xi32>
      %add3A_325 = vector.broadcast %scan3A_70 : i32 to vector<16xi32>
      %add3A_326 = arith.addi %broadcast_in_dim3A_324, %add3A_325 : vector<16xi32>
      %gather3A_327 = tpu.vector_load_idx %arg6[%add3A_322, %add3A_326] : memref<512x128xf32, #tpu.memory_space<vmem>>[vector<16xi32>, vector<16xi32>], vector<16xf32>,
      %swap3A_328 = arith.index_cast %scan3A_70 : i32 to index
      %swap3A_329 = arith.constant 336 : index
      %swap3A_330 = tpu.vector_load %arg7[%swap3A_328, %swap3A_329] {strides = array<i32>} : memref<64x512xf32, #tpu.memory_space<vmem>>, vector<16xf32>,
      tpu.vector_store %arg7[%swap3A_328, %swap3A_329], %gather3A_327 {strides = array<i32>} : memref<64x512xf32, #tpu.memory_space<vmem>>, vector<16xf32>,
      %iota3A_331 = tpu.iota {dimensions = array<i32: 0>} : vector<16xi32>
      %add3A_332 = arith.constant 352 : i32
      %add3A_333 = vector.broadcast %add3A_332 : i32 to vector<16xi32>
      %add3A_334 = arith.addi %iota3A_331, %add3A_333 : vector<16xi32>
      %broadcast_in_dim3A_335 = arith.constant 0 : i32
      %broadcast_in_dim3A_336 = vector.broadcast %broadcast_in_dim3A_335 : i32 to vector<16xi32>
      %add3A_337 = vector.broadcast %scan3A_70 : i32 to vector<16xi32>
      %add3A_338 = arith.addi %broadcast_in_dim3A_336, %add3A_337 : vector<16xi32>
      %gather3A_339 = tpu.vector_load_idx %arg6[%add3A_334, %add3A_338] : memref<512x128xf32, #tpu.memory_space<vmem>>[vector<16xi32>, vector<16xi32>], vector<16xf32>,
      %swap3A_340 = arith.index_cast %scan3A_70 : i32 to index
      %swap3A_341 = arith.constant 352 : index
      %swap3A_342 = tpu.vector_load %arg7[%swap3A_340, %swap3A_341] {strides = array<i32>} : memref<64x512xf32, #tpu.memory_space<vmem>>, vector<16xf32>,
      tpu.vector_store %arg7[%swap3A_340, %swap3A_341], %gather3A_339 {strides = array<i32>} : memref<64x512xf32, #tpu.memory_space<vmem>>, vector<16xf32>,
      %iota3A_343 = tpu.iota {dimensions = array<i32: 0>} : vector<16xi32>
      %add3A_344 = arith.constant 368 : i32
      %add3A_345 = vector.broadcast %add3A_344 : i32 to vector<16xi32>
      %add3A_346 = arith.addi %iota3A_343, %add3A_345 : vector<16xi32>
      %broadcast_in_dim3A_347 = arith.constant 0 : i32
      %broadcast_in_dim3A_348 = vector.broadcast %broadcast_in_dim3A_347 : i32 to vector<16xi32>
      %add3A_349 = vector.broadcast %scan3A_70 : i32 to vector<16xi32>
      %add3A_350 = arith.addi %broadcast_in_dim3A_348, %add3A_349 : vector<16xi32>
      %gather3A_351 = tpu.vector_load_idx %arg6[%add3A_346, %add3A_350] : memref<512x128xf32, #tpu.memory_space<vmem>>[vector<16xi32>, vector<16xi32>], vector<16xf32>,
      %swap3A_352 = arith.index_cast %scan3A_70 : i32 to index
      %swap3A_353 = arith.constant 368 : index
      %swap3A_354 = tpu.vector_load %arg7[%swap3A_352, %swap3A_353] {strides = array<i32>} : memref<64x512xf32, #tpu.memory_space<vmem>>, vector<16xf32>,
      tpu.vector_store %arg7[%swap3A_352, %swap3A_353], %gather3A_351 {strides = array<i32>} : memref<64x512xf32, #tpu.memory_space<vmem>>, vector<16xf32>,
      %iota3A_355 = tpu.iota {dimensions = array<i32: 0>} : vector<16xi32>
      %add3A_356 = arith.constant 384 : i32
      %add3A_357 = vector.broadcast %add3A_356 : i32 to vector<16xi32>
      %add3A_358 = arith.addi %iota3A_355, %add3A_357 : vector<16xi32>
      %broadcast_in_dim3A_359 = arith.constant 0 : i32
      %broadcast_in_dim3A_360 = vector.broadcast %broadcast_in_dim3A_359 : i32 to vector<16xi32>
      %add3A_361 = vector.broadcast %scan3A_70 : i32 to vector<16xi32>
      %add3A_362 = arith.addi %broadcast_in_dim3A_360, %add3A_361 : vector<16xi32>
      %gather3A_363 = tpu.vector_load_idx %arg6[%add3A_358, %add3A_362] : memref<512x128xf32, #tpu.memory_space<vmem>>[vector<16xi32>, vector<16xi32>], vector<16xf32>,
      %swap3A_364 = arith.index_cast %scan3A_70 : i32 to index
      %swap3A_365 = arith.constant 384 : index
      %swap3A_366 = tpu.vector_load %arg7[%swap3A_364, %swap3A_365] {strides = array<i32>} : memref<64x512xf32, #tpu.memory_space<vmem>>, vector<16xf32>,
      tpu.vector_store %arg7[%swap3A_364, %swap3A_365], %gather3A_363 {strides = array<i32>} : memref<64x512xf32, #tpu.memory_space<vmem>>, vector<16xf32>,
      %iota3A_367 = tpu.iota {dimensions = array<i32: 0>} : vector<16xi32>
      %add3A_368 = arith.constant 400 : i32
      %add3A_369 = vector.broadcast %add3A_368 : i32 to vector<16xi32>
      %add3A_370 = arith.addi %iota3A_367, %add3A_369 : vector<16xi32>
      %broadcast_in_dim3A_371 = arith.constant 0 : i32
      %broadcast_in_dim3A_372 = vector.broadcast %broadcast_in_dim3A_371 : i32 to vector<16xi32>
      %add3A_373 = vector.broadcast %scan3A_70 : i32 to vector<16xi32>
      %add3A_374 = arith.addi %broadcast_in_dim3A_372, %add3A_373 : vector<16xi32>
      %gather3A_375 = tpu.vector_load_idx %arg6[%add3A_370, %add3A_374] : memref<512x128xf32, #tpu.memory_space<vmem>>[vector<16xi32>, vector<16xi32>], vector<16xf32>,
      %swap3A_376 = arith.index_cast %scan3A_70 : i32 to index
      %swap3A_377 = arith.constant 400 : index
      %swap3A_378 = tpu.vector_load %arg7[%swap3A_376, %swap3A_377] {strides = array<i32>} : memref<64x512xf32, #tpu.memory_space<vmem>>, vector<16xf32>,
      tpu.vector_store %arg7[%swap3A_376, %swap3A_377], %gather3A_375 {strides = array<i32>} : memref<64x512xf32, #tpu.memory_space<vmem>>, vector<16xf32>,
      %iota3A_379 = tpu.iota {dimensions = array<i32: 0>} : vector<16xi32>
      %add3A_380 = arith.constant 416 : i32
      %add3A_381 = vector.broadcast %add3A_380 : i32 to vector<16xi32>
      %add3A_382 = arith.addi %iota3A_379, %add3A_381 : vector<16xi32>
      %broadcast_in_dim3A_383 = arith.constant 0 : i32
      %broadcast_in_dim3A_384 = vector.broadcast %broadcast_in_dim3A_383 : i32 to vector<16xi32>
      %add3A_385 = vector.broadcast %scan3A_70 : i32 to vector<16xi32>
      %add3A_386 = arith.addi %broadcast_in_dim3A_384, %add3A_385 : vector<16xi32>
      %gather3A_387 = tpu.vector_load_idx %arg6[%add3A_382, %add3A_386] : memref<512x128xf32, #tpu.memory_space<vmem>>[vector<16xi32>, vector<16xi32>], vector<16xf32>,
      %swap3A_388 = arith.index_cast %scan3A_70 : i32 to index
      %swap3A_389 = arith.constant 416 : index
      %swap3A_390 = tpu.vector_load %arg7[%swap3A_388, %swap3A_389] {strides = array<i32>} : memref<64x512xf32, #tpu.memory_space<vmem>>, vector<16xf32>,
      tpu.vector_store %arg7[%swap3A_388, %swap3A_389], %gather3A_387 {strides = array<i32>} : memref<64x512xf32, #tpu.memory_space<vmem>>, vector<16xf32>,
      %iota3A_391 = tpu.iota {dimensions = array<i32: 0>} : vector<16xi32>
      %add3A_392 = arith.constant 432 : i32
      %add3A_393 = vector.broadcast %add3A_392 : i32 to vector<16xi32>
      %add3A_394 = arith.addi %iota3A_391, %add3A_393 : vector<16xi32>
      %broadcast_in_dim3A_395 = arith.constant 0 : i32
      %broadcast_in_dim3A_396 = vector.broadcast %broadcast_in_dim3A_395 : i32 to vector<16xi32>
      %add3A_397 = vector.broadcast %scan3A_70 : i32 to vector<16xi32>
      %add3A_398 = arith.addi %broadcast_in_dim3A_396, %add3A_397 : vector<16xi32>
      %gather3A_399 = tpu.vector_load_idx %arg6[%add3A_394, %add3A_398] : memref<512x128xf32, #tpu.memory_space<vmem>>[vector<16xi32>, vector<16xi32>], vector<16xf32>,
      %swap3A_400 = arith.index_cast %scan3A_70 : i32 to index
      %swap3A_401 = arith.constant 432 : index
      %swap3A_402 = tpu.vector_load %arg7[%swap3A_400, %swap3A_401] {strides = array<i32>} : memref<64x512xf32, #tpu.memory_space<vmem>>, vector<16xf32>,
      tpu.vector_store %arg7[%swap3A_400, %swap3A_401], %gather3A_399 {strides = array<i32>} : memref<64x512xf32, #tpu.memory_space<vmem>>, vector<16xf32>,
      %iota3A_403 = tpu.iota {dimensions = array<i32: 0>} : vector<16xi32>
      %add3A_404 = arith.constant 448 : i32
      %add3A_405 = vector.broadcast %add3A_404 : i32 to vector<16xi32>
      %add3A_406 = arith.addi %iota3A_403, %add3A_405 : vector<16xi32>
      %broadcast_in_dim3A_407 = arith.constant 0 : i32
      %broadcast_in_dim3A_408 = vector.broadcast %broadcast_in_dim3A_407 : i32 to vector<16xi32>
      %add3A_409 = vector.broadcast %scan3A_70 : i32 to vector<16xi32>
      %add3A_410 = arith.addi %broadcast_in_dim3A_408, %add3A_409 : vector<16xi32>
      %gather3A_411 = tpu.vector_load_idx %arg6[%add3A_406, %add3A_410] : memref<512x128xf32, #tpu.memory_space<vmem>>[vector<16xi32>, vector<16xi32>], vector<16xf32>,
      %swap3A_412 = arith.index_cast %scan3A_70 : i32 to index
      %swap3A_413 = arith.constant 448 : index
      %swap3A_414 = tpu.vector_load %arg7[%swap3A_412, %swap3A_413] {strides = array<i32>} : memref<64x512xf32, #tpu.memory_space<vmem>>, vector<16xf32>,
      tpu.vector_store %arg7[%swap3A_412, %swap3A_413], %gather3A_411 {strides = array<i32>} : memref<64x512xf32, #tpu.memory_space<vmem>>, vector<16xf32>,
      %iota3A_415 = tpu.iota {dimensions = array<i32: 0>} : vector<16xi32>
      %add3A_416 = arith.constant 464 : i32
      %add3A_417 = vector.broadcast %add3A_416 : i32 to vector<16xi32>
      %add3A_418 = arith.addi %iota3A_415, %add3A_417 : vector<16xi32>
      %broadcast_in_dim3A_419 = arith.constant 0 : i32
      %broadcast_in_dim3A_420 = vector.broadcast %broadcast_in_dim3A_419 : i32 to vector<16xi32>
      %add3A_421 = vector.broadcast %scan3A_70 : i32 to vector<16xi32>
      %add3A_422 = arith.addi %broadcast_in_dim3A_420, %add3A_421 : vector<16xi32>
      %gather3A_423 = tpu.vector_load_idx %arg6[%add3A_418, %add3A_422] : memref<512x128xf32, #tpu.memory_space<vmem>>[vector<16xi32>, vector<16xi32>], vector<16xf32>,
      %swap3A_424 = arith.index_cast %scan3A_70 : i32 to index
      %swap3A_425 = arith.constant 464 : index
      %swap3A_426 = tpu.vector_load %arg7[%swap3A_424, %swap3A_425] {strides = array<i32>} : memref<64x512xf32, #tpu.memory_space<vmem>>, vector<16xf32>,
      tpu.vector_store %arg7[%swap3A_424, %swap3A_425], %gather3A_423 {strides = array<i32>} : memref<64x512xf32, #tpu.memory_space<vmem>>, vector<16xf32>,
      %iota3A_427 = tpu.iota {dimensions = array<i32: 0>} : vector<16xi32>
      %add3A_428 = arith.constant 480 : i32
      %add3A_429 = vector.broadcast %add3A_428 : i32 to vector<16xi32>
      %add3A_430 = arith.addi %iota3A_427, %add3A_429 : vector<16xi32>
      %broadcast_in_dim3A_431 = arith.constant 0 : i32
      %broadcast_in_dim3A_432 = vector.broadcast %broadcast_in_dim3A_431 : i32 to vector<16xi32>
      %add3A_433 = vector.broadcast %scan3A_70 : i32 to vector<16xi32>
      %add3A_434 = arith.addi %broadcast_in_dim3A_432, %add3A_433 : vector<16xi32>
      %gather3A_435 = tpu.vector_load_idx %arg6[%add3A_430, %add3A_434] : memref<512x128xf32, #tpu.memory_space<vmem>>[vector<16xi32>, vector<16xi32>], vector<16xf32>,
      %swap3A_436 = arith.index_cast %scan3A_70 : i32 to index
      %swap3A_437 = arith.constant 480 : index
      %swap3A_438 = tpu.vector_load %arg7[%swap3A_436, %swap3A_437] {strides = array<i32>} : memref<64x512xf32, #tpu.memory_space<vmem>>, vector<16xf32>,
      tpu.vector_store %arg7[%swap3A_436, %swap3A_437], %gather3A_435 {strides = array<i32>} : memref<64x512xf32, #tpu.memory_space<vmem>>, vector<16xf32>,
      %iota3A_439 = tpu.iota {dimensions = array<i32: 0>} : vector<16xi32>
      %add3A_440 = arith.constant 496 : i32
      %add3A_441 = vector.broadcast %add3A_440 : i32 to vector<16xi32>
      %add3A_442 = arith.addi %iota3A_439, %add3A_441 : vector<16xi32>
      %broadcast_in_dim3A_443 = arith.constant 0 : i32
      %broadcast_in_dim3A_444 = vector.broadcast %broadcast_in_dim3A_443 : i32 to vector<16xi32>
      %add3A_445 = vector.broadcast %scan3A_70 : i32 to vector<16xi32>
      %add3A_446 = arith.addi %broadcast_in_dim3A_444, %add3A_445 : vector<16xi32>
      %gather3A_447 = tpu.vector_load_idx %arg6[%add3A_442, %add3A_446] : memref<512x128xf32, #tpu.memory_space<vmem>>[vector<16xi32>, vector<16xi32>], vector<16xf32>,
      %swap3A_448 = arith.index_cast %scan3A_70 : i32 to index
      %swap3A_449 = arith.constant 496 : index
      %swap3A_450 = tpu.vector_load %arg7[%swap3A_448, %swap3A_449] {strides = array<i32>} : memref<64x512xf32, #tpu.memory_space<vmem>>, vector<16xf32>,
      tpu.vector_store %arg7[%swap3A_448, %swap3A_449], %gather3A_447 {strides = array<i32>} : memref<64x512xf32, #tpu.memory_space<vmem>>, vector<16xf32>,
    }
    %scan3A_69 = arith.constant 64 : i32
    "tpu.region"() ({
      %run_scoped3A = tpu.sem_alloc : memref<!tpu.dma_semaphore, #tpu.memory_space<semaphore_mem>>
      %dma_start3A_70 = arith.constant 0 : i32
      %dma_start3A_71 = tpu.memref_slice %arg4[%dma_start3A_70, %mul3A_2] : memref<64x16384xf32, #tpu.memory_space<hbm>> -> memref<64x512xf32, #tpu.memory_space<hbm>>
      %dma_start3A_72 = arith.constant 0 : i32
      %dma_start3A_73 = tpu.memref_slice %arg4[%dma_start3A_72, %mul3A_2] : memref<64x16384xf32, #tpu.memory_space<hbm>> -> memref<64x512xf32, #tpu.memory_space<hbm>>
      tpu.enqueue_dma source(%arg7 : memref<64x512xf32, #tpu.memory_space<vmem>>) target(%dma_start3A_73 : memref<64x512xf32, #tpu.memory_space<hbm>>) target_semaphore(%run_scoped3A : memref<!tpu.dma_semaphore, #tpu.memory_space<semaphore_mem>>)
      %dma_wait3A_74 = arith.constant 0 : i32
      %dma_wait3A_75 = tpu.memref_slice %arg4[%dma_wait3A_74, %mul3A_2] : memref<64x16384xf32, #tpu.memory_space<hbm>> -> memref<64x512xf32, #tpu.memory_space<hbm>>
      %dma_wait3A_76 = arith.constant 0 : i32
      %dma_wait3A_77 = tpu.memref_slice %arg4[%dma_wait3A_76, %mul3A_2] : memref<64x16384xf32, #tpu.memory_space<hbm>> -> memref<64x512xf32, #tpu.memory_space<hbm>>
      tpu.wait_dma2 semaphore(%run_scoped3A : memref<!tpu.dma_semaphore, #tpu.memory_space<semaphore_mem>>) src(%arg7 : memref<64x512xf32, #tpu.memory_space<vmem>>) dst(%dma_wait3A_77 : memref<64x512xf32, #tpu.memory_space<hbm>>)
      tpu.yield
    }) : () -> ()
    return
  }
}

module attributes {stable_mosaic.version = 14 : i64} {
  func.func @_obj_body(%arg0: i32, %arg1: memref<18x8x2048xi32, #tpu.memory_space<vmem>>, %arg2: memref<8x2048xi32, #tpu.memory_space<vmem>>, %arg3: memref<512x577xf32, #tpu.memory_space<vmem>>, %arg4: memref<64x3xf32, #tpu.memory_space<vmem>>, %arg5: memref<8x64x1xf32, #tpu.memory_space<vmem>>, %arg6: memref<8x64x2048xf32, #tpu.memory_space<vmem>>) attributes {dimension_semantics = [#tpu.dimension_semantics<arbitrary>], iteration_bounds = array<i64: 8>, scalar_prefetch = 0 : i64, scratch_operands = 0 : i64, tpu.core_type = #tpu.core_type<tc>, window_params = [{transform_indices = @transform_0, window_bounds = array<i64: 18, 8, 2048>}, {transform_indices = @transform_1, window_bounds = array<i64: 8, 2048>}, {pipeline_mode = #tpu.pipeline_mode<synchronous>, transform_indices = @transform_2, window_bounds = array<i64: 512, 577>}, {pipeline_mode = #tpu.pipeline_mode<synchronous>, transform_indices = @transform_3, window_bounds = array<i64: 64, 3>}, {pipeline_mode = #tpu.pipeline_mode<synchronous>, transform_indices = @transform_4, window_bounds = array<i64: 8, 64, 1>}, {transform_indices = @transform_5, window_bounds = array<i64: 8, 64, 2048>}]} {
    %get3A = arith.constant 0 : index
    %get3A_0 = arith.constant 0 : index
    %get3A_1 = arith.constant 0 : index
    %get3A_2 = vector.load %arg1[%get3A, %get3A_0, %get3A_1] : memref<18x8x2048xi32, #tpu.memory_space<vmem>>, vector<18x8x2048xi32>
    %reshape3A = vector.shape_cast %get3A_2 : vector<18x8x2048xi32> to vector<144x2048xi32>
    %broadcast_in_dim3A = arith.constant 1.000000e+00 : f32
    %broadcast_in_dim3A_3 = vector.broadcast %broadcast_in_dim3A : f32 to vector<1x2048xf32>
    %eq3A = arith.constant 0 : i32
    %eq3A_4 = vector.broadcast %eq3A : i32 to vector<144x2048xi32>
    %eq3A_5 = arith.cmpi eq, %reshape3A, %eq3A_4 : vector<144x2048xi32>
    %convert_element_type3A = arith.extui %eq3A_5 : vector<144x2048xi1> to vector<144x2048xi32>
    %convert_element_type3A_6 = arith.sitofp %convert_element_type3A : vector<144x2048xi32> to vector<144x2048xf32>
    %eq3A_7 = arith.constant 1 : i32
    %eq3A_8 = vector.broadcast %eq3A_7 : i32 to vector<144x2048xi32>
    %eq3A_9 = arith.cmpi eq, %reshape3A, %eq3A_8 : vector<144x2048xi32>
    %convert_element_type3A_10 = arith.extui %eq3A_9 : vector<144x2048xi1> to vector<144x2048xi32>
    %convert_element_type3A_11 = arith.sitofp %convert_element_type3A_10 : vector<144x2048xi32> to vector<144x2048xf32>
    %eq3A_12 = arith.constant 2 : i32
    %eq3A_13 = vector.broadcast %eq3A_12 : i32 to vector<144x2048xi32>
    %eq3A_14 = arith.cmpi eq, %reshape3A, %eq3A_13 : vector<144x2048xi32>
    %convert_element_type3A_15 = arith.extui %eq3A_14 : vector<144x2048xi1> to vector<144x2048xi32>
    %convert_element_type3A_16 = arith.sitofp %convert_element_type3A_15 : vector<144x2048xi32> to vector<144x2048xf32>
    %eq3A_17 = arith.constant 3 : i32
    %eq3A_18 = vector.broadcast %eq3A_17 : i32 to vector<144x2048xi32>
    %eq3A_19 = arith.cmpi eq, %reshape3A, %eq3A_18 : vector<144x2048xi32>
    %convert_element_type3A_20 = arith.extui %eq3A_19 : vector<144x2048xi1> to vector<144x2048xi32>
    %convert_element_type3A_21 = arith.sitofp %convert_element_type3A_20 : vector<144x2048xi32> to vector<144x2048xf32>
    %concatenate3A = tpu.concatenate %convert_element_type3A_6, %convert_element_type3A_11, %convert_element_type3A_16, %convert_element_type3A_21, %broadcast_in_dim3A_3 in 0 : vector<144x2048xf32>, vector<144x2048xf32>, vector<144x2048xf32>, vector<144x2048xf32>, vector<1x2048xf32> -> vector<577x2048xf32>
    %get3A_22 = arith.constant 0 : index
    %get3A_23 = arith.constant 0 : index
    %get3A_24 = vector.load %arg3[%get3A_22, %get3A_23] : memref<512x577xf32, #tpu.memory_space<vmem>>, vector<512x577xf32>
    %dot_general3A = arith.constant dense<0.000000e+00> : vector<512x2048xf32>
    %dot_general3A_25 = tpu.matmul %get3A_24, %concatenate3A, %dot_general3A {dimension_numbers = #tpu.dot_dimension_numbers<[1], [0], [0], [1], [0, 0, 1, 1], [], []>, transpose_lhs_hint = false} : vector<512x577xf32>, vector<577x2048xf32>, vector<512x2048xf32> -> vector<512x2048xf32>
    %get3A_26 = arith.constant 0 : index
    %get3A_27 = arith.constant 0 : index
    %get3A_28 = vector.load %arg4[%get3A_26, %get3A_27] : memref<64x3xf32, #tpu.memory_space<vmem>>, vector<64x1xf32>
    %get3A_29 = arith.constant 0 : index
    %get3A_30 = arith.constant 1 : index
    %get3A_31 = vector.load %arg4[%get3A_29, %get3A_30] : memref<64x3xf32, #tpu.memory_space<vmem>>, vector<64x1xf32>
    %get3A_32 = arith.constant 0 : index
    %get3A_33 = arith.constant 2 : index
    %get3A_34 = vector.load %arg4[%get3A_32, %get3A_33] : memref<64x3xf32, #tpu.memory_space<vmem>>, vector<64x1xf32>
    %slice3A = vector.extract_strided_slice %dot_general3A_25 {offsets = [0, 0], sizes = [64, 2048], strides = [1, 1]} : vector<512x2048xf32> to vector<64x2048xf32>
    %max3A = arith.constant 0.000000e+00 : f32
    %max3A_35 = vector.broadcast %max3A : f32 to vector<64x2048xf32>
    %max3A_36 = arith.maximumf %slice3A, %max3A_35 : vector<64x2048xf32>
    %reduce_sum3A = arith.constant dense<0.000000e+00> : vector<2048xf32>
    %reduce_sum3A_37 = vector.multi_reduction <add>, %max3A_36, %reduce_sum3A [0] : vector<64x2048xf32> to vector<2048xf32>
    %broadcast_in_dim3A_38 = vector.shape_cast %reduce_sum3A_37 : vector<2048xf32> to vector<1x2048xf32>
    %div3A = arith.constant 6.400000e+01 : f32
    %div3A_39 = vector.broadcast %div3A : f32 to vector<1x2048xf32>
    %div3A_40 = arith.divf %broadcast_in_dim3A_38, %div3A_39 : vector<1x2048xf32>
    %mul3A = arith.mulf %max3A_36, %max3A_36 : vector<64x2048xf32>
    %reduce_sum3A_41 = arith.constant dense<0.000000e+00> : vector<2048xf32>
    %reduce_sum3A_42 = vector.multi_reduction <add>, %mul3A, %reduce_sum3A_41 [0] : vector<64x2048xf32> to vector<2048xf32>
    %broadcast_in_dim3A_43 = vector.shape_cast %reduce_sum3A_42 : vector<2048xf32> to vector<1x2048xf32>
    %div3A_44 = arith.constant 6.400000e+01 : f32
    %div3A_45 = vector.broadcast %div3A_44 : f32 to vector<1x2048xf32>
    %div3A_46 = arith.divf %broadcast_in_dim3A_43, %div3A_45 : vector<1x2048xf32>
    %mul3A_47 = arith.mulf %div3A_40, %div3A_40 : vector<1x2048xf32>
    %sub3A = arith.subf %div3A_46, %mul3A_47 : vector<1x2048xf32>
    %max3A_48 = arith.constant 0.000000e+00 : f32
    %max3A_49 = vector.broadcast %max3A_48 : f32 to vector<1x2048xf32>
    %max3A_50 = arith.maximumf %sub3A, %max3A_49 : vector<1x2048xf32>
    %add3A = arith.constant 9.99999974E-6 : f32
    %add3A_51 = vector.broadcast %add3A : f32 to vector<1x2048xf32>
    %add3A_52 = arith.addf %max3A_50, %add3A_51 : vector<1x2048xf32>
    %rsqrt3A = math.rsqrt %add3A_52 : vector<1x2048xf32>
    %mul3A_53 = vector.broadcast %get3A_28 : vector<64x1xf32> to vector<64x2048xf32>
    %mul3A_54 = vector.broadcast %rsqrt3A : vector<1x2048xf32> to vector<64x2048xf32>
    %mul3A_55 = arith.mulf %mul3A_53, %mul3A_54 : vector<64x2048xf32>
    %sub3A_56 = vector.broadcast %div3A_40 : vector<1x2048xf32> to vector<64x2048xf32>
    %sub3A_57 = arith.subf %max3A_36, %sub3A_56 : vector<64x2048xf32>
    %mul3A_58 = arith.mulf %sub3A_57, %mul3A_55 : vector<64x2048xf32>
    %add3A_59 = vector.broadcast %get3A_31 : vector<64x1xf32> to vector<64x2048xf32>
    %add3A_60 = arith.addf %mul3A_58, %add3A_59 : vector<64x2048xf32>
    %get3A_61 = arith.constant 0 : index
    %get3A_62 = arith.constant 0 : index
    %get3A_63 = vector.load %arg2[%get3A_61, %get3A_62] : memref<8x2048xi32, #tpu.memory_space<vmem>>, vector<1x2048xi32>
    %eq3A_64 = arith.constant -1 : i32
    %eq3A_65 = vector.broadcast %eq3A_64 : i32 to vector<1x2048xi32>
    %eq3A_66 = arith.cmpi eq, %get3A_63, %eq3A_65 : vector<1x2048xi32>
    %broadcast_in_dim3A_67 = vector.shape_cast %eq3A_66 : vector<1x2048xi1> to vector<1x2048xi1>
    %broadcast_in_dim3A_68 = vector.broadcast %broadcast_in_dim3A_67 : vector<1x2048xi1> to vector<64x2048xi1>
    %broadcast_in_dim3A_69 = vector.shape_cast %get3A_34 : vector<64x1xf32> to vector<64x1xf32>
    %broadcast_in_dim3A_70 = vector.broadcast %broadcast_in_dim3A_69 : vector<64x1xf32> to vector<64x2048xf32>
    %select_n3A = arith.select %broadcast_in_dim3A_68, %broadcast_in_dim3A_70, %add3A_60 : vector<64x2048xi1>, vector<64x2048xf32>
    %get3A_71 = arith.constant 0 : index
    %get3A_72 = arith.constant 0 : index
    %get3A_73 = arith.constant 0 : index
    %get3A_74 = vector.load %arg5[%get3A_71, %get3A_72, %get3A_73] : memref<8x64x1xf32, #tpu.memory_space<vmem>>, vector<1x64x1xf32>
    %get3A_75 = vector.shape_cast %get3A_74 : vector<1x64x1xf32> to vector<64x1xf32>
    %add3A_76 = vector.broadcast %get3A_75 : vector<64x1xf32> to vector<64x2048xf32>
    %add3A_77 = arith.addf %select_n3A, %add3A_76 : vector<64x2048xf32>
    %swap3A = arith.constant 0 : index
    %swap3A_78 = arith.constant 0 : index
    %swap3A_79 = arith.constant 0 : index
    %swap3A_80 = vector.load %arg6[%swap3A, %swap3A_78, %swap3A_79] : memref<8x64x2048xf32, #tpu.memory_space<vmem>>, vector<1x64x2048xf32>
    %swap3A_81 = vector.shape_cast %swap3A_80 : vector<1x64x2048xf32> to vector<64x2048xf32>
    %swap3A_82 = vector.shape_cast %add3A_77 : vector<64x2048xf32> to vector<1x64x2048xf32>
    tpu.vector_store %arg6[%swap3A, %swap3A_78, %swap3A_79], %swap3A_82 {strides = array<i32>} : memref<8x64x2048xf32, #tpu.memory_space<vmem>>, vector<1x64x2048xf32>,
    %slice3A_83 = vector.extract_strided_slice %dot_general3A_25 {offsets = [64, 0], sizes = [64, 2048], strides = [1, 1]} : vector<512x2048xf32> to vector<64x2048xf32>
    %max3A_84 = arith.constant 0.000000e+00 : f32
    %max3A_85 = vector.broadcast %max3A_84 : f32 to vector<64x2048xf32>
    %max3A_86 = arith.maximumf %slice3A_83, %max3A_85 : vector<64x2048xf32>
    %reduce_sum3A_87 = arith.constant dense<0.000000e+00> : vector<2048xf32>
    %reduce_sum3A_88 = vector.multi_reduction <add>, %max3A_86, %reduce_sum3A_87 [0] : vector<64x2048xf32> to vector<2048xf32>
    %broadcast_in_dim3A_89 = vector.shape_cast %reduce_sum3A_88 : vector<2048xf32> to vector<1x2048xf32>
    %div3A_90 = arith.constant 6.400000e+01 : f32
    %div3A_91 = vector.broadcast %div3A_90 : f32 to vector<1x2048xf32>
    %div3A_92 = arith.divf %broadcast_in_dim3A_89, %div3A_91 : vector<1x2048xf32>
    %mul3A_93 = arith.mulf %max3A_86, %max3A_86 : vector<64x2048xf32>
    %reduce_sum3A_94 = arith.constant dense<0.000000e+00> : vector<2048xf32>
    %reduce_sum3A_95 = vector.multi_reduction <add>, %mul3A_93, %reduce_sum3A_94 [0] : vector<64x2048xf32> to vector<2048xf32>
    %broadcast_in_dim3A_96 = vector.shape_cast %reduce_sum3A_95 : vector<2048xf32> to vector<1x2048xf32>
    %div3A_97 = arith.constant 6.400000e+01 : f32
    %div3A_98 = vector.broadcast %div3A_97 : f32 to vector<1x2048xf32>
    %div3A_99 = arith.divf %broadcast_in_dim3A_96, %div3A_98 : vector<1x2048xf32>
    %mul3A_100 = arith.mulf %div3A_92, %div3A_92 : vector<1x2048xf32>
    %sub3A_101 = arith.subf %div3A_99, %mul3A_100 : vector<1x2048xf32>
    %max3A_102 = arith.constant 0.000000e+00 : f32
    %max3A_103 = vector.broadcast %max3A_102 : f32 to vector<1x2048xf32>
    %max3A_104 = arith.maximumf %sub3A_101, %max3A_103 : vector<1x2048xf32>
    %add3A_105 = arith.constant 9.99999974E-6 : f32
    %add3A_106 = vector.broadcast %add3A_105 : f32 to vector<1x2048xf32>
    %add3A_107 = arith.addf %max3A_104, %add3A_106 : vector<1x2048xf32>
    %rsqrt3A_108 = math.rsqrt %add3A_107 : vector<1x2048xf32>
    %mul3A_109 = vector.broadcast %get3A_28 : vector<64x1xf32> to vector<64x2048xf32>
    %mul3A_110 = vector.broadcast %rsqrt3A_108 : vector<1x2048xf32> to vector<64x2048xf32>
    %mul3A_111 = arith.mulf %mul3A_109, %mul3A_110 : vector<64x2048xf32>
    %sub3A_112 = vector.broadcast %div3A_92 : vector<1x2048xf32> to vector<64x2048xf32>
    %sub3A_113 = arith.subf %max3A_86, %sub3A_112 : vector<64x2048xf32>
    %mul3A_114 = arith.mulf %sub3A_113, %mul3A_111 : vector<64x2048xf32>
    %add3A_115 = vector.broadcast %get3A_31 : vector<64x1xf32> to vector<64x2048xf32>
    %add3A_116 = arith.addf %mul3A_114, %add3A_115 : vector<64x2048xf32>
    %get3A_117 = arith.constant 1 : index
    %get3A_118 = arith.constant 0 : index
    %get3A_119 = vector.load %arg2[%get3A_117, %get3A_118] : memref<8x2048xi32, #tpu.memory_space<vmem>>, vector<1x2048xi32>
    %eq3A_120 = arith.constant -1 : i32
    %eq3A_121 = vector.broadcast %eq3A_120 : i32 to vector<1x2048xi32>
    %eq3A_122 = arith.cmpi eq, %get3A_119, %eq3A_121 : vector<1x2048xi32>
    %broadcast_in_dim3A_123 = vector.shape_cast %eq3A_122 : vector<1x2048xi1> to vector<1x2048xi1>
    %broadcast_in_dim3A_124 = vector.broadcast %broadcast_in_dim3A_123 : vector<1x2048xi1> to vector<64x2048xi1>
    %broadcast_in_dim3A_125 = vector.shape_cast %get3A_34 : vector<64x1xf32> to vector<64x1xf32>
    %broadcast_in_dim3A_126 = vector.broadcast %broadcast_in_dim3A_125 : vector<64x1xf32> to vector<64x2048xf32>
    %select_n3A_127 = arith.select %broadcast_in_dim3A_124, %broadcast_in_dim3A_126, %add3A_116 : vector<64x2048xi1>, vector<64x2048xf32>
    %get3A_128 = arith.constant 1 : index
    %get3A_129 = arith.constant 0 : index
    %get3A_130 = arith.constant 0 : index
    %get3A_131 = vector.load %arg5[%get3A_128, %get3A_129, %get3A_130] : memref<8x64x1xf32, #tpu.memory_space<vmem>>, vector<1x64x1xf32>
    %get3A_132 = vector.shape_cast %get3A_131 : vector<1x64x1xf32> to vector<64x1xf32>
    %add3A_133 = vector.broadcast %get3A_132 : vector<64x1xf32> to vector<64x2048xf32>
    %add3A_134 = arith.addf %select_n3A_127, %add3A_133 : vector<64x2048xf32>
    %swap3A_135 = arith.constant 1 : index
    %swap3A_136 = arith.constant 0 : index
    %swap3A_137 = arith.constant 0 : index
    %swap3A_138 = vector.load %arg6[%swap3A_135, %swap3A_136, %swap3A_137] : memref<8x64x2048xf32, #tpu.memory_space<vmem>>, vector<1x64x2048xf32>
    %swap3A_139 = vector.shape_cast %swap3A_138 : vector<1x64x2048xf32> to vector<64x2048xf32>
    %swap3A_140 = vector.shape_cast %add3A_134 : vector<64x2048xf32> to vector<1x64x2048xf32>
    tpu.vector_store %arg6[%swap3A_135, %swap3A_136, %swap3A_137], %swap3A_140 {strides = array<i32>} : memref<8x64x2048xf32, #tpu.memory_space<vmem>>, vector<1x64x2048xf32>,
    %slice3A_141 = vector.extract_strided_slice %dot_general3A_25 {offsets = [128, 0], sizes = [64, 2048], strides = [1, 1]} : vector<512x2048xf32> to vector<64x2048xf32>
    %max3A_142 = arith.constant 0.000000e+00 : f32
    %max3A_143 = vector.broadcast %max3A_142 : f32 to vector<64x2048xf32>
    %max3A_144 = arith.maximumf %slice3A_141, %max3A_143 : vector<64x2048xf32>
    %reduce_sum3A_145 = arith.constant dense<0.000000e+00> : vector<2048xf32>
    %reduce_sum3A_146 = vector.multi_reduction <add>, %max3A_144, %reduce_sum3A_145 [0] : vector<64x2048xf32> to vector<2048xf32>
    %broadcast_in_dim3A_147 = vector.shape_cast %reduce_sum3A_146 : vector<2048xf32> to vector<1x2048xf32>
    %div3A_148 = arith.constant 6.400000e+01 : f32
    %div3A_149 = vector.broadcast %div3A_148 : f32 to vector<1x2048xf32>
    %div3A_150 = arith.divf %broadcast_in_dim3A_147, %div3A_149 : vector<1x2048xf32>
    %mul3A_151 = arith.mulf %max3A_144, %max3A_144 : vector<64x2048xf32>
    %reduce_sum3A_152 = arith.constant dense<0.000000e+00> : vector<2048xf32>
    %reduce_sum3A_153 = vector.multi_reduction <add>, %mul3A_151, %reduce_sum3A_152 [0] : vector<64x2048xf32> to vector<2048xf32>
    %broadcast_in_dim3A_154 = vector.shape_cast %reduce_sum3A_153 : vector<2048xf32> to vector<1x2048xf32>
    %div3A_155 = arith.constant 6.400000e+01 : f32
    %div3A_156 = vector.broadcast %div3A_155 : f32 to vector<1x2048xf32>
    %div3A_157 = arith.divf %broadcast_in_dim3A_154, %div3A_156 : vector<1x2048xf32>
    %mul3A_158 = arith.mulf %div3A_150, %div3A_150 : vector<1x2048xf32>
    %sub3A_159 = arith.subf %div3A_157, %mul3A_158 : vector<1x2048xf32>
    %max3A_160 = arith.constant 0.000000e+00 : f32
    %max3A_161 = vector.broadcast %max3A_160 : f32 to vector<1x2048xf32>
    %max3A_162 = arith.maximumf %sub3A_159, %max3A_161 : vector<1x2048xf32>
    %add3A_163 = arith.constant 9.99999974E-6 : f32
    %add3A_164 = vector.broadcast %add3A_163 : f32 to vector<1x2048xf32>
    %add3A_165 = arith.addf %max3A_162, %add3A_164 : vector<1x2048xf32>
    %rsqrt3A_166 = math.rsqrt %add3A_165 : vector<1x2048xf32>
    %mul3A_167 = vector.broadcast %get3A_28 : vector<64x1xf32> to vector<64x2048xf32>
    %mul3A_168 = vector.broadcast %rsqrt3A_166 : vector<1x2048xf32> to vector<64x2048xf32>
    %mul3A_169 = arith.mulf %mul3A_167, %mul3A_168 : vector<64x2048xf32>
    %sub3A_170 = vector.broadcast %div3A_150 : vector<1x2048xf32> to vector<64x2048xf32>
    %sub3A_171 = arith.subf %max3A_144, %sub3A_170 : vector<64x2048xf32>
    %mul3A_172 = arith.mulf %sub3A_171, %mul3A_169 : vector<64x2048xf32>
    %add3A_173 = vector.broadcast %get3A_31 : vector<64x1xf32> to vector<64x2048xf32>
    %add3A_174 = arith.addf %mul3A_172, %add3A_173 : vector<64x2048xf32>
    %get3A_175 = arith.constant 2 : index
    %get3A_176 = arith.constant 0 : index
    %get3A_177 = vector.load %arg2[%get3A_175, %get3A_176] : memref<8x2048xi32, #tpu.memory_space<vmem>>, vector<1x2048xi32>
    %eq3A_178 = arith.constant -1 : i32
    %eq3A_179 = vector.broadcast %eq3A_178 : i32 to vector<1x2048xi32>
    %eq3A_180 = arith.cmpi eq, %get3A_177, %eq3A_179 : vector<1x2048xi32>
    %broadcast_in_dim3A_181 = vector.shape_cast %eq3A_180 : vector<1x2048xi1> to vector<1x2048xi1>
    %broadcast_in_dim3A_182 = vector.broadcast %broadcast_in_dim3A_181 : vector<1x2048xi1> to vector<64x2048xi1>
    %broadcast_in_dim3A_183 = vector.shape_cast %get3A_34 : vector<64x1xf32> to vector<64x1xf32>
    %broadcast_in_dim3A_184 = vector.broadcast %broadcast_in_dim3A_183 : vector<64x1xf32> to vector<64x2048xf32>
    %select_n3A_185 = arith.select %broadcast_in_dim3A_182, %broadcast_in_dim3A_184, %add3A_174 : vector<64x2048xi1>, vector<64x2048xf32>
    %get3A_186 = arith.constant 2 : index
    %get3A_187 = arith.constant 0 : index
    %get3A_188 = arith.constant 0 : index
    %get3A_189 = vector.load %arg5[%get3A_186, %get3A_187, %get3A_188] : memref<8x64x1xf32, #tpu.memory_space<vmem>>, vector<1x64x1xf32>
    %get3A_190 = vector.shape_cast %get3A_189 : vector<1x64x1xf32> to vector<64x1xf32>
    %add3A_191 = vector.broadcast %get3A_190 : vector<64x1xf32> to vector<64x2048xf32>
    %add3A_192 = arith.addf %select_n3A_185, %add3A_191 : vector<64x2048xf32>
    %swap3A_193 = arith.constant 2 : index
    %swap3A_194 = arith.constant 0 : index
    %swap3A_195 = arith.constant 0 : index
    %swap3A_196 = vector.load %arg6[%swap3A_193, %swap3A_194, %swap3A_195] : memref<8x64x2048xf32, #tpu.memory_space<vmem>>, vector<1x64x2048xf32>
    %swap3A_197 = vector.shape_cast %swap3A_196 : vector<1x64x2048xf32> to vector<64x2048xf32>
    %swap3A_198 = vector.shape_cast %add3A_192 : vector<64x2048xf32> to vector<1x64x2048xf32>
    tpu.vector_store %arg6[%swap3A_193, %swap3A_194, %swap3A_195], %swap3A_198 {strides = array<i32>} : memref<8x64x2048xf32, #tpu.memory_space<vmem>>, vector<1x64x2048xf32>,
    %slice3A_199 = vector.extract_strided_slice %dot_general3A_25 {offsets = [192, 0], sizes = [64, 2048], strides = [1, 1]} : vector<512x2048xf32> to vector<64x2048xf32>
    %max3A_200 = arith.constant 0.000000e+00 : f32
    %max3A_201 = vector.broadcast %max3A_200 : f32 to vector<64x2048xf32>
    %max3A_202 = arith.maximumf %slice3A_199, %max3A_201 : vector<64x2048xf32>
    %reduce_sum3A_203 = arith.constant dense<0.000000e+00> : vector<2048xf32>
    %reduce_sum3A_204 = vector.multi_reduction <add>, %max3A_202, %reduce_sum3A_203 [0] : vector<64x2048xf32> to vector<2048xf32>
    %broadcast_in_dim3A_205 = vector.shape_cast %reduce_sum3A_204 : vector<2048xf32> to vector<1x2048xf32>
    %div3A_206 = arith.constant 6.400000e+01 : f32
    %div3A_207 = vector.broadcast %div3A_206 : f32 to vector<1x2048xf32>
    %div3A_208 = arith.divf %broadcast_in_dim3A_205, %div3A_207 : vector<1x2048xf32>
    %mul3A_209 = arith.mulf %max3A_202, %max3A_202 : vector<64x2048xf32>
    %reduce_sum3A_210 = arith.constant dense<0.000000e+00> : vector<2048xf32>
    %reduce_sum3A_211 = vector.multi_reduction <add>, %mul3A_209, %reduce_sum3A_210 [0] : vector<64x2048xf32> to vector<2048xf32>
    %broadcast_in_dim3A_212 = vector.shape_cast %reduce_sum3A_211 : vector<2048xf32> to vector<1x2048xf32>
    %div3A_213 = arith.constant 6.400000e+01 : f32
    %div3A_214 = vector.broadcast %div3A_213 : f32 to vector<1x2048xf32>
    %div3A_215 = arith.divf %broadcast_in_dim3A_212, %div3A_214 : vector<1x2048xf32>
    %mul3A_216 = arith.mulf %div3A_208, %div3A_208 : vector<1x2048xf32>
    %sub3A_217 = arith.subf %div3A_215, %mul3A_216 : vector<1x2048xf32>
    %max3A_218 = arith.constant 0.000000e+00 : f32
    %max3A_219 = vector.broadcast %max3A_218 : f32 to vector<1x2048xf32>
    %max3A_220 = arith.maximumf %sub3A_217, %max3A_219 : vector<1x2048xf32>
    %add3A_221 = arith.constant 9.99999974E-6 : f32
    %add3A_222 = vector.broadcast %add3A_221 : f32 to vector<1x2048xf32>
    %add3A_223 = arith.addf %max3A_220, %add3A_222 : vector<1x2048xf32>
    %rsqrt3A_224 = math.rsqrt %add3A_223 : vector<1x2048xf32>
    %mul3A_225 = vector.broadcast %get3A_28 : vector<64x1xf32> to vector<64x2048xf32>
    %mul3A_226 = vector.broadcast %rsqrt3A_224 : vector<1x2048xf32> to vector<64x2048xf32>
    %mul3A_227 = arith.mulf %mul3A_225, %mul3A_226 : vector<64x2048xf32>
    %sub3A_228 = vector.broadcast %div3A_208 : vector<1x2048xf32> to vector<64x2048xf32>
    %sub3A_229 = arith.subf %max3A_202, %sub3A_228 : vector<64x2048xf32>
    %mul3A_230 = arith.mulf %sub3A_229, %mul3A_227 : vector<64x2048xf32>
    %add3A_231 = vector.broadcast %get3A_31 : vector<64x1xf32> to vector<64x2048xf32>
    %add3A_232 = arith.addf %mul3A_230, %add3A_231 : vector<64x2048xf32>
    %get3A_233 = arith.constant 3 : index
    %get3A_234 = arith.constant 0 : index
    %get3A_235 = vector.load %arg2[%get3A_233, %get3A_234] : memref<8x2048xi32, #tpu.memory_space<vmem>>, vector<1x2048xi32>
    %eq3A_236 = arith.constant -1 : i32
    %eq3A_237 = vector.broadcast %eq3A_236 : i32 to vector<1x2048xi32>
    %eq3A_238 = arith.cmpi eq, %get3A_235, %eq3A_237 : vector<1x2048xi32>
    %broadcast_in_dim3A_239 = vector.shape_cast %eq3A_238 : vector<1x2048xi1> to vector<1x2048xi1>
    %broadcast_in_dim3A_240 = vector.broadcast %broadcast_in_dim3A_239 : vector<1x2048xi1> to vector<64x2048xi1>
    %broadcast_in_dim3A_241 = vector.shape_cast %get3A_34 : vector<64x1xf32> to vector<64x1xf32>
    %broadcast_in_dim3A_242 = vector.broadcast %broadcast_in_dim3A_241 : vector<64x1xf32> to vector<64x2048xf32>
    %select_n3A_243 = arith.select %broadcast_in_dim3A_240, %broadcast_in_dim3A_242, %add3A_232 : vector<64x2048xi1>, vector<64x2048xf32>
    %get3A_244 = arith.constant 3 : index
    %get3A_245 = arith.constant 0 : index
    %get3A_246 = arith.constant 0 : index
    %get3A_247 = vector.load %arg5[%get3A_244, %get3A_245, %get3A_246] : memref<8x64x1xf32, #tpu.memory_space<vmem>>, vector<1x64x1xf32>
    %get3A_248 = vector.shape_cast %get3A_247 : vector<1x64x1xf32> to vector<64x1xf32>
    %add3A_249 = vector.broadcast %get3A_248 : vector<64x1xf32> to vector<64x2048xf32>
    %add3A_250 = arith.addf %select_n3A_243, %add3A_249 : vector<64x2048xf32>
    %swap3A_251 = arith.constant 3 : index
    %swap3A_252 = arith.constant 0 : index
    %swap3A_253 = arith.constant 0 : index
    %swap3A_254 = vector.load %arg6[%swap3A_251, %swap3A_252, %swap3A_253] : memref<8x64x2048xf32, #tpu.memory_space<vmem>>, vector<1x64x2048xf32>
    %swap3A_255 = vector.shape_cast %swap3A_254 : vector<1x64x2048xf32> to vector<64x2048xf32>
    %swap3A_256 = vector.shape_cast %add3A_250 : vector<64x2048xf32> to vector<1x64x2048xf32>
    tpu.vector_store %arg6[%swap3A_251, %swap3A_252, %swap3A_253], %swap3A_256 {strides = array<i32>} : memref<8x64x2048xf32, #tpu.memory_space<vmem>>, vector<1x64x2048xf32>,
    %slice3A_257 = vector.extract_strided_slice %dot_general3A_25 {offsets = [256, 0], sizes = [64, 2048], strides = [1, 1]} : vector<512x2048xf32> to vector<64x2048xf32>
    %max3A_258 = arith.constant 0.000000e+00 : f32
    %max3A_259 = vector.broadcast %max3A_258 : f32 to vector<64x2048xf32>
    %max3A_260 = arith.maximumf %slice3A_257, %max3A_259 : vector<64x2048xf32>
    %reduce_sum3A_261 = arith.constant dense<0.000000e+00> : vector<2048xf32>
    %reduce_sum3A_262 = vector.multi_reduction <add>, %max3A_260, %reduce_sum3A_261 [0] : vector<64x2048xf32> to vector<2048xf32>
    %broadcast_in_dim3A_263 = vector.shape_cast %reduce_sum3A_262 : vector<2048xf32> to vector<1x2048xf32>
    %div3A_264 = arith.constant 6.400000e+01 : f32
    %div3A_265 = vector.broadcast %div3A_264 : f32 to vector<1x2048xf32>
    %div3A_266 = arith.divf %broadcast_in_dim3A_263, %div3A_265 : vector<1x2048xf32>
    %mul3A_267 = arith.mulf %max3A_260, %max3A_260 : vector<64x2048xf32>
    %reduce_sum3A_268 = arith.constant dense<0.000000e+00> : vector<2048xf32>
    %reduce_sum3A_269 = vector.multi_reduction <add>, %mul3A_267, %reduce_sum3A_268 [0] : vector<64x2048xf32> to vector<2048xf32>
    %broadcast_in_dim3A_270 = vector.shape_cast %reduce_sum3A_269 : vector<2048xf32> to vector<1x2048xf32>
    %div3A_271 = arith.constant 6.400000e+01 : f32
    %div3A_272 = vector.broadcast %div3A_271 : f32 to vector<1x2048xf32>
    %div3A_273 = arith.divf %broadcast_in_dim3A_270, %div3A_272 : vector<1x2048xf32>
    %mul3A_274 = arith.mulf %div3A_266, %div3A_266 : vector<1x2048xf32>
    %sub3A_275 = arith.subf %div3A_273, %mul3A_274 : vector<1x2048xf32>
    %max3A_276 = arith.constant 0.000000e+00 : f32
    %max3A_277 = vector.broadcast %max3A_276 : f32 to vector<1x2048xf32>
    %max3A_278 = arith.maximumf %sub3A_275, %max3A_277 : vector<1x2048xf32>
    %add3A_279 = arith.constant 9.99999974E-6 : f32
    %add3A_280 = vector.broadcast %add3A_279 : f32 to vector<1x2048xf32>
    %add3A_281 = arith.addf %max3A_278, %add3A_280 : vector<1x2048xf32>
    %rsqrt3A_282 = math.rsqrt %add3A_281 : vector<1x2048xf32>
    %mul3A_283 = vector.broadcast %get3A_28 : vector<64x1xf32> to vector<64x2048xf32>
    %mul3A_284 = vector.broadcast %rsqrt3A_282 : vector<1x2048xf32> to vector<64x2048xf32>
    %mul3A_285 = arith.mulf %mul3A_283, %mul3A_284 : vector<64x2048xf32>
    %sub3A_286 = vector.broadcast %div3A_266 : vector<1x2048xf32> to vector<64x2048xf32>
    %sub3A_287 = arith.subf %max3A_260, %sub3A_286 : vector<64x2048xf32>
    %mul3A_288 = arith.mulf %sub3A_287, %mul3A_285 : vector<64x2048xf32>
    %add3A_289 = vector.broadcast %get3A_31 : vector<64x1xf32> to vector<64x2048xf32>
    %add3A_290 = arith.addf %mul3A_288, %add3A_289 : vector<64x2048xf32>
    %get3A_291 = arith.constant 4 : index
    %get3A_292 = arith.constant 0 : index
    %get3A_293 = vector.load %arg2[%get3A_291, %get3A_292] : memref<8x2048xi32, #tpu.memory_space<vmem>>, vector<1x2048xi32>
    %eq3A_294 = arith.constant -1 : i32
    %eq3A_295 = vector.broadcast %eq3A_294 : i32 to vector<1x2048xi32>
    %eq3A_296 = arith.cmpi eq, %get3A_293, %eq3A_295 : vector<1x2048xi32>
    %broadcast_in_dim3A_297 = vector.shape_cast %eq3A_296 : vector<1x2048xi1> to vector<1x2048xi1>
    %broadcast_in_dim3A_298 = vector.broadcast %broadcast_in_dim3A_297 : vector<1x2048xi1> to vector<64x2048xi1>
    %broadcast_in_dim3A_299 = vector.shape_cast %get3A_34 : vector<64x1xf32> to vector<64x1xf32>
    %broadcast_in_dim3A_300 = vector.broadcast %broadcast_in_dim3A_299 : vector<64x1xf32> to vector<64x2048xf32>
    %select_n3A_301 = arith.select %broadcast_in_dim3A_298, %broadcast_in_dim3A_300, %add3A_290 : vector<64x2048xi1>, vector<64x2048xf32>
    %get3A_302 = arith.constant 4 : index
    %get3A_303 = arith.constant 0 : index
    %get3A_304 = arith.constant 0 : index
    %get3A_305 = vector.load %arg5[%get3A_302, %get3A_303, %get3A_304] : memref<8x64x1xf32, #tpu.memory_space<vmem>>, vector<1x64x1xf32>
    %get3A_306 = vector.shape_cast %get3A_305 : vector<1x64x1xf32> to vector<64x1xf32>
    %add3A_307 = vector.broadcast %get3A_306 : vector<64x1xf32> to vector<64x2048xf32>
    %add3A_308 = arith.addf %select_n3A_301, %add3A_307 : vector<64x2048xf32>
    %swap3A_309 = arith.constant 4 : index
    %swap3A_310 = arith.constant 0 : index
    %swap3A_311 = arith.constant 0 : index
    %swap3A_312 = vector.load %arg6[%swap3A_309, %swap3A_310, %swap3A_311] : memref<8x64x2048xf32, #tpu.memory_space<vmem>>, vector<1x64x2048xf32>
    %swap3A_313 = vector.shape_cast %swap3A_312 : vector<1x64x2048xf32> to vector<64x2048xf32>
    %swap3A_314 = vector.shape_cast %add3A_308 : vector<64x2048xf32> to vector<1x64x2048xf32>
    tpu.vector_store %arg6[%swap3A_309, %swap3A_310, %swap3A_311], %swap3A_314 {strides = array<i32>} : memref<8x64x2048xf32, #tpu.memory_space<vmem>>, vector<1x64x2048xf32>,
    %slice3A_315 = vector.extract_strided_slice %dot_general3A_25 {offsets = [320, 0], sizes = [64, 2048], strides = [1, 1]} : vector<512x2048xf32> to vector<64x2048xf32>
    %max3A_316 = arith.constant 0.000000e+00 : f32
    %max3A_317 = vector.broadcast %max3A_316 : f32 to vector<64x2048xf32>
    %max3A_318 = arith.maximumf %slice3A_315, %max3A_317 : vector<64x2048xf32>
    %reduce_sum3A_319 = arith.constant dense<0.000000e+00> : vector<2048xf32>
    %reduce_sum3A_320 = vector.multi_reduction <add>, %max3A_318, %reduce_sum3A_319 [0] : vector<64x2048xf32> to vector<2048xf32>
    %broadcast_in_dim3A_321 = vector.shape_cast %reduce_sum3A_320 : vector<2048xf32> to vector<1x2048xf32>
    %div3A_322 = arith.constant 6.400000e+01 : f32
    %div3A_323 = vector.broadcast %div3A_322 : f32 to vector<1x2048xf32>
    %div3A_324 = arith.divf %broadcast_in_dim3A_321, %div3A_323 : vector<1x2048xf32>
    %mul3A_325 = arith.mulf %max3A_318, %max3A_318 : vector<64x2048xf32>
    %reduce_sum3A_326 = arith.constant dense<0.000000e+00> : vector<2048xf32>
    %reduce_sum3A_327 = vector.multi_reduction <add>, %mul3A_325, %reduce_sum3A_326 [0] : vector<64x2048xf32> to vector<2048xf32>
    %broadcast_in_dim3A_328 = vector.shape_cast %reduce_sum3A_327 : vector<2048xf32> to vector<1x2048xf32>
    %div3A_329 = arith.constant 6.400000e+01 : f32
    %div3A_330 = vector.broadcast %div3A_329 : f32 to vector<1x2048xf32>
    %div3A_331 = arith.divf %broadcast_in_dim3A_328, %div3A_330 : vector<1x2048xf32>
    %mul3A_332 = arith.mulf %div3A_324, %div3A_324 : vector<1x2048xf32>
    %sub3A_333 = arith.subf %div3A_331, %mul3A_332 : vector<1x2048xf32>
    %max3A_334 = arith.constant 0.000000e+00 : f32
    %max3A_335 = vector.broadcast %max3A_334 : f32 to vector<1x2048xf32>
    %max3A_336 = arith.maximumf %sub3A_333, %max3A_335 : vector<1x2048xf32>
    %add3A_337 = arith.constant 9.99999974E-6 : f32
    %add3A_338 = vector.broadcast %add3A_337 : f32 to vector<1x2048xf32>
    %add3A_339 = arith.addf %max3A_336, %add3A_338 : vector<1x2048xf32>
    %rsqrt3A_340 = math.rsqrt %add3A_339 : vector<1x2048xf32>
    %mul3A_341 = vector.broadcast %get3A_28 : vector<64x1xf32> to vector<64x2048xf32>
    %mul3A_342 = vector.broadcast %rsqrt3A_340 : vector<1x2048xf32> to vector<64x2048xf32>
    %mul3A_343 = arith.mulf %mul3A_341, %mul3A_342 : vector<64x2048xf32>
    %sub3A_344 = vector.broadcast %div3A_324 : vector<1x2048xf32> to vector<64x2048xf32>
    %sub3A_345 = arith.subf %max3A_318, %sub3A_344 : vector<64x2048xf32>
    %mul3A_346 = arith.mulf %sub3A_345, %mul3A_343 : vector<64x2048xf32>
    %add3A_347 = vector.broadcast %get3A_31 : vector<64x1xf32> to vector<64x2048xf32>
    %add3A_348 = arith.addf %mul3A_346, %add3A_347 : vector<64x2048xf32>
    %get3A_349 = arith.constant 5 : index
    %get3A_350 = arith.constant 0 : index
    %get3A_351 = vector.load %arg2[%get3A_349, %get3A_350] : memref<8x2048xi32, #tpu.memory_space<vmem>>, vector<1x2048xi32>
    %eq3A_352 = arith.constant -1 : i32
    %eq3A_353 = vector.broadcast %eq3A_352 : i32 to vector<1x2048xi32>
    %eq3A_354 = arith.cmpi eq, %get3A_351, %eq3A_353 : vector<1x2048xi32>
    %broadcast_in_dim3A_355 = vector.shape_cast %eq3A_354 : vector<1x2048xi1> to vector<1x2048xi1>
    %broadcast_in_dim3A_356 = vector.broadcast %broadcast_in_dim3A_355 : vector<1x2048xi1> to vector<64x2048xi1>
    %broadcast_in_dim3A_357 = vector.shape_cast %get3A_34 : vector<64x1xf32> to vector<64x1xf32>
    %broadcast_in_dim3A_358 = vector.broadcast %broadcast_in_dim3A_357 : vector<64x1xf32> to vector<64x2048xf32>
    %select_n3A_359 = arith.select %broadcast_in_dim3A_356, %broadcast_in_dim3A_358, %add3A_348 : vector<64x2048xi1>, vector<64x2048xf32>
    %get3A_360 = arith.constant 5 : index
    %get3A_361 = arith.constant 0 : index
    %get3A_362 = arith.constant 0 : index
    %get3A_363 = vector.load %arg5[%get3A_360, %get3A_361, %get3A_362] : memref<8x64x1xf32, #tpu.memory_space<vmem>>, vector<1x64x1xf32>
    %get3A_364 = vector.shape_cast %get3A_363 : vector<1x64x1xf32> to vector<64x1xf32>
    %add3A_365 = vector.broadcast %get3A_364 : vector<64x1xf32> to vector<64x2048xf32>
    %add3A_366 = arith.addf %select_n3A_359, %add3A_365 : vector<64x2048xf32>
    %swap3A_367 = arith.constant 5 : index
    %swap3A_368 = arith.constant 0 : index
    %swap3A_369 = arith.constant 0 : index
    %swap3A_370 = vector.load %arg6[%swap3A_367, %swap3A_368, %swap3A_369] : memref<8x64x2048xf32, #tpu.memory_space<vmem>>, vector<1x64x2048xf32>
    %swap3A_371 = vector.shape_cast %swap3A_370 : vector<1x64x2048xf32> to vector<64x2048xf32>
    %swap3A_372 = vector.shape_cast %add3A_366 : vector<64x2048xf32> to vector<1x64x2048xf32>
    tpu.vector_store %arg6[%swap3A_367, %swap3A_368, %swap3A_369], %swap3A_372 {strides = array<i32>} : memref<8x64x2048xf32, #tpu.memory_space<vmem>>, vector<1x64x2048xf32>,
    %slice3A_373 = vector.extract_strided_slice %dot_general3A_25 {offsets = [384, 0], sizes = [64, 2048], strides = [1, 1]} : vector<512x2048xf32> to vector<64x2048xf32>
    %max3A_374 = arith.constant 0.000000e+00 : f32
    %max3A_375 = vector.broadcast %max3A_374 : f32 to vector<64x2048xf32>
    %max3A_376 = arith.maximumf %slice3A_373, %max3A_375 : vector<64x2048xf32>
    %reduce_sum3A_377 = arith.constant dense<0.000000e+00> : vector<2048xf32>
    %reduce_sum3A_378 = vector.multi_reduction <add>, %max3A_376, %reduce_sum3A_377 [0] : vector<64x2048xf32> to vector<2048xf32>
    %broadcast_in_dim3A_379 = vector.shape_cast %reduce_sum3A_378 : vector<2048xf32> to vector<1x2048xf32>
    %div3A_380 = arith.constant 6.400000e+01 : f32
    %div3A_381 = vector.broadcast %div3A_380 : f32 to vector<1x2048xf32>
    %div3A_382 = arith.divf %broadcast_in_dim3A_379, %div3A_381 : vector<1x2048xf32>
    %mul3A_383 = arith.mulf %max3A_376, %max3A_376 : vector<64x2048xf32>
    %reduce_sum3A_384 = arith.constant dense<0.000000e+00> : vector<2048xf32>
    %reduce_sum3A_385 = vector.multi_reduction <add>, %mul3A_383, %reduce_sum3A_384 [0] : vector<64x2048xf32> to vector<2048xf32>
    %broadcast_in_dim3A_386 = vector.shape_cast %reduce_sum3A_385 : vector<2048xf32> to vector<1x2048xf32>
    %div3A_387 = arith.constant 6.400000e+01 : f32
    %div3A_388 = vector.broadcast %div3A_387 : f32 to vector<1x2048xf32>
    %div3A_389 = arith.divf %broadcast_in_dim3A_386, %div3A_388 : vector<1x2048xf32>
    %mul3A_390 = arith.mulf %div3A_382, %div3A_382 : vector<1x2048xf32>
    %sub3A_391 = arith.subf %div3A_389, %mul3A_390 : vector<1x2048xf32>
    %max3A_392 = arith.constant 0.000000e+00 : f32
    %max3A_393 = vector.broadcast %max3A_392 : f32 to vector<1x2048xf32>
    %max3A_394 = arith.maximumf %sub3A_391, %max3A_393 : vector<1x2048xf32>
    %add3A_395 = arith.constant 9.99999974E-6 : f32
    %add3A_396 = vector.broadcast %add3A_395 : f32 to vector<1x2048xf32>
    %add3A_397 = arith.addf %max3A_394, %add3A_396 : vector<1x2048xf32>
    %rsqrt3A_398 = math.rsqrt %add3A_397 : vector<1x2048xf32>
    %mul3A_399 = vector.broadcast %get3A_28 : vector<64x1xf32> to vector<64x2048xf32>
    %mul3A_400 = vector.broadcast %rsqrt3A_398 : vector<1x2048xf32> to vector<64x2048xf32>
    %mul3A_401 = arith.mulf %mul3A_399, %mul3A_400 : vector<64x2048xf32>
    %sub3A_402 = vector.broadcast %div3A_382 : vector<1x2048xf32> to vector<64x2048xf32>
    %sub3A_403 = arith.subf %max3A_376, %sub3A_402 : vector<64x2048xf32>
    %mul3A_404 = arith.mulf %sub3A_403, %mul3A_401 : vector<64x2048xf32>
    %add3A_405 = vector.broadcast %get3A_31 : vector<64x1xf32> to vector<64x2048xf32>
    %add3A_406 = arith.addf %mul3A_404, %add3A_405 : vector<64x2048xf32>
    %get3A_407 = arith.constant 6 : index
    %get3A_408 = arith.constant 0 : index
    %get3A_409 = vector.load %arg2[%get3A_407, %get3A_408] : memref<8x2048xi32, #tpu.memory_space<vmem>>, vector<1x2048xi32>
    %eq3A_410 = arith.constant -1 : i32
    %eq3A_411 = vector.broadcast %eq3A_410 : i32 to vector<1x2048xi32>
    %eq3A_412 = arith.cmpi eq, %get3A_409, %eq3A_411 : vector<1x2048xi32>
    %broadcast_in_dim3A_413 = vector.shape_cast %eq3A_412 : vector<1x2048xi1> to vector<1x2048xi1>
    %broadcast_in_dim3A_414 = vector.broadcast %broadcast_in_dim3A_413 : vector<1x2048xi1> to vector<64x2048xi1>
    %broadcast_in_dim3A_415 = vector.shape_cast %get3A_34 : vector<64x1xf32> to vector<64x1xf32>
    %broadcast_in_dim3A_416 = vector.broadcast %broadcast_in_dim3A_415 : vector<64x1xf32> to vector<64x2048xf32>
    %select_n3A_417 = arith.select %broadcast_in_dim3A_414, %broadcast_in_dim3A_416, %add3A_406 : vector<64x2048xi1>, vector<64x2048xf32>
    %get3A_418 = arith.constant 6 : index
    %get3A_419 = arith.constant 0 : index
    %get3A_420 = arith.constant 0 : index
    %get3A_421 = vector.load %arg5[%get3A_418, %get3A_419, %get3A_420] : memref<8x64x1xf32, #tpu.memory_space<vmem>>, vector<1x64x1xf32>
    %get3A_422 = vector.shape_cast %get3A_421 : vector<1x64x1xf32> to vector<64x1xf32>
    %add3A_423 = vector.broadcast %get3A_422 : vector<64x1xf32> to vector<64x2048xf32>
    %add3A_424 = arith.addf %select_n3A_417, %add3A_423 : vector<64x2048xf32>
    %swap3A_425 = arith.constant 6 : index
    %swap3A_426 = arith.constant 0 : index
    %swap3A_427 = arith.constant 0 : index
    %swap3A_428 = vector.load %arg6[%swap3A_425, %swap3A_426, %swap3A_427] : memref<8x64x2048xf32, #tpu.memory_space<vmem>>, vector<1x64x2048xf32>
    %swap3A_429 = vector.shape_cast %swap3A_428 : vector<1x64x2048xf32> to vector<64x2048xf32>
    %swap3A_430 = vector.shape_cast %add3A_424 : vector<64x2048xf32> to vector<1x64x2048xf32>
    tpu.vector_store %arg6[%swap3A_425, %swap3A_426, %swap3A_427], %swap3A_430 {strides = array<i32>} : memref<8x64x2048xf32, #tpu.memory_space<vmem>>, vector<1x64x2048xf32>,
    %slice3A_431 = vector.extract_strided_slice %dot_general3A_25 {offsets = [448, 0], sizes = [64, 2048], strides = [1, 1]} : vector<512x2048xf32> to vector<64x2048xf32>
    %max3A_432 = arith.constant 0.000000e+00 : f32
    %max3A_433 = vector.broadcast %max3A_432 : f32 to vector<64x2048xf32>
    %max3A_434 = arith.maximumf %slice3A_431, %max3A_433 : vector<64x2048xf32>
    %reduce_sum3A_435 = arith.constant dense<0.000000e+00> : vector<2048xf32>
    %reduce_sum3A_436 = vector.multi_reduction <add>, %max3A_434, %reduce_sum3A_435 [0] : vector<64x2048xf32> to vector<2048xf32>
    %broadcast_in_dim3A_437 = vector.shape_cast %reduce_sum3A_436 : vector<2048xf32> to vector<1x2048xf32>
    %div3A_438 = arith.constant 6.400000e+01 : f32
    %div3A_439 = vector.broadcast %div3A_438 : f32 to vector<1x2048xf32>
    %div3A_440 = arith.divf %broadcast_in_dim3A_437, %div3A_439 : vector<1x2048xf32>
    %mul3A_441 = arith.mulf %max3A_434, %max3A_434 : vector<64x2048xf32>
    %reduce_sum3A_442 = arith.constant dense<0.000000e+00> : vector<2048xf32>
    %reduce_sum3A_443 = vector.multi_reduction <add>, %mul3A_441, %reduce_sum3A_442 [0] : vector<64x2048xf32> to vector<2048xf32>
    %broadcast_in_dim3A_444 = vector.shape_cast %reduce_sum3A_443 : vector<2048xf32> to vector<1x2048xf32>
    %div3A_445 = arith.constant 6.400000e+01 : f32
    %div3A_446 = vector.broadcast %div3A_445 : f32 to vector<1x2048xf32>
    %div3A_447 = arith.divf %broadcast_in_dim3A_444, %div3A_446 : vector<1x2048xf32>
    %mul3A_448 = arith.mulf %div3A_440, %div3A_440 : vector<1x2048xf32>
    %sub3A_449 = arith.subf %div3A_447, %mul3A_448 : vector<1x2048xf32>
    %max3A_450 = arith.constant 0.000000e+00 : f32
    %max3A_451 = vector.broadcast %max3A_450 : f32 to vector<1x2048xf32>
    %max3A_452 = arith.maximumf %sub3A_449, %max3A_451 : vector<1x2048xf32>
    %add3A_453 = arith.constant 9.99999974E-6 : f32
    %add3A_454 = vector.broadcast %add3A_453 : f32 to vector<1x2048xf32>
    %add3A_455 = arith.addf %max3A_452, %add3A_454 : vector<1x2048xf32>
    %rsqrt3A_456 = math.rsqrt %add3A_455 : vector<1x2048xf32>
    %mul3A_457 = vector.broadcast %get3A_28 : vector<64x1xf32> to vector<64x2048xf32>
    %mul3A_458 = vector.broadcast %rsqrt3A_456 : vector<1x2048xf32> to vector<64x2048xf32>
    %mul3A_459 = arith.mulf %mul3A_457, %mul3A_458 : vector<64x2048xf32>
    %sub3A_460 = vector.broadcast %div3A_440 : vector<1x2048xf32> to vector<64x2048xf32>
    %sub3A_461 = arith.subf %max3A_434, %sub3A_460 : vector<64x2048xf32>
    %mul3A_462 = arith.mulf %sub3A_461, %mul3A_459 : vector<64x2048xf32>
    %add3A_463 = vector.broadcast %get3A_31 : vector<64x1xf32> to vector<64x2048xf32>
    %add3A_464 = arith.addf %mul3A_462, %add3A_463 : vector<64x2048xf32>
    %get3A_465 = arith.constant 7 : index
    %get3A_466 = arith.constant 0 : index
    %get3A_467 = vector.load %arg2[%get3A_465, %get3A_466] : memref<8x2048xi32, #tpu.memory_space<vmem>>, vector<1x2048xi32>
    %eq3A_468 = arith.constant -1 : i32
    %eq3A_469 = vector.broadcast %eq3A_468 : i32 to vector<1x2048xi32>
    %eq3A_470 = arith.cmpi eq, %get3A_467, %eq3A_469 : vector<1x2048xi32>
    %broadcast_in_dim3A_471 = vector.shape_cast %eq3A_470 : vector<1x2048xi1> to vector<1x2048xi1>
    %broadcast_in_dim3A_472 = vector.broadcast %broadcast_in_dim3A_471 : vector<1x2048xi1> to vector<64x2048xi1>
    %broadcast_in_dim3A_473 = vector.shape_cast %get3A_34 : vector<64x1xf32> to vector<64x1xf32>
    %broadcast_in_dim3A_474 = vector.broadcast %broadcast_in_dim3A_473 : vector<64x1xf32> to vector<64x2048xf32>
    %select_n3A_475 = arith.select %broadcast_in_dim3A_472, %broadcast_in_dim3A_474, %add3A_464 : vector<64x2048xi1>, vector<64x2048xf32>
    %get3A_476 = arith.constant 7 : index
    %get3A_477 = arith.constant 0 : index
    %get3A_478 = arith.constant 0 : index
    %get3A_479 = vector.load %arg5[%get3A_476, %get3A_477, %get3A_478] : memref<8x64x1xf32, #tpu.memory_space<vmem>>, vector<1x64x1xf32>
    %get3A_480 = vector.shape_cast %get3A_479 : vector<1x64x1xf32> to vector<64x1xf32>
    %add3A_481 = vector.broadcast %get3A_480 : vector<64x1xf32> to vector<64x2048xf32>
    %add3A_482 = arith.addf %select_n3A_475, %add3A_481 : vector<64x2048xf32>
    %swap3A_483 = arith.constant 7 : index
    %swap3A_484 = arith.constant 0 : index
    %swap3A_485 = arith.constant 0 : index
    %swap3A_486 = vector.load %arg6[%swap3A_483, %swap3A_484, %swap3A_485] : memref<8x64x2048xf32, #tpu.memory_space<vmem>>, vector<1x64x2048xf32>
    %swap3A_487 = vector.shape_cast %swap3A_486 : vector<1x64x2048xf32> to vector<64x2048xf32>
    %swap3A_488 = vector.shape_cast %add3A_482 : vector<64x2048xf32> to vector<1x64x2048xf32>
    tpu.vector_store %arg6[%swap3A_483, %swap3A_484, %swap3A_485], %swap3A_488 {strides = array<i32>} : memref<8x64x2048xf32, #tpu.memory_space<vmem>>, vector<1x64x2048xf32>,
    return
  }
  func.func @transform_0(%arg0: i32) -> (i32, i32, i32) {
    %c0_i32 = arith.constant 0 : i32
    %c0_i32_0 = arith.constant 0 : i32
    %c0_i32_1 = arith.constant 0 : i32
    return %c0_i32, %c0_i32_0, %arg0 : i32, i32, i32
  }
  func.func @transform_1(%arg0: i32) -> (i32, i32) {
    %c0_i32 = arith.constant 0 : i32
    %c0_i32_0 = arith.constant 0 : i32
    return %c0_i32, %arg0 : i32, i32
  }
  func.func @transform_2(%arg0: i32) -> (i32, i32) {
    %c0_i32 = arith.constant 0 : i32
    %c0_i32_0 = arith.constant 0 : i32
    %c0_i32_1 = arith.constant 0 : i32
    return %c0_i32, %c0_i32_0 : i32, i32
  }
  func.func @transform_3(%arg0: i32) -> (i32, i32) {
    %c0_i32 = arith.constant 0 : i32
    %c0_i32_0 = arith.constant 0 : i32
    %c0_i32_1 = arith.constant 0 : i32
    return %c0_i32, %c0_i32_0 : i32, i32
  }
  func.func @transform_4(%arg0: i32) -> (i32, i32, i32) {
    %c0_i32 = arith.constant 0 : i32
    %c0_i32_0 = arith.constant 0 : i32
    %c0_i32_1 = arith.constant 0 : i32
    %c0_i32_2 = arith.constant 0 : i32
    return %c0_i32, %c0_i32_0, %c0_i32_1 : i32, i32, i32
  }
  func.func @transform_5(%arg0: i32) -> (i32, i32, i32) {
    %c0_i32 = arith.constant 0 : i32
    %c0_i32_0 = arith.constant 0 : i32
    %c0_i32_1 = arith.constant 0 : i32
    return %c0_i32, %c0_i32_0, %arg0 : i32, i32, i32
  }
}

module attributes {stable_mosaic.version = 14 : i64} {
  func.func @_prep_body(%arg0: memref<10x1640xf32, #tpu.memory_space<vmem>>, %arg1: memref<10x64xf32, #tpu.memory_space<vmem>>, %arg2: memref<1x64xf32, #tpu.memory_space<vmem>>, %arg3: memref<1x64xf32, #tpu.memory_space<vmem>>, %arg4: memref<64x72xf32, #tpu.memory_space<vmem>>, %arg5: memref<64x1152xf32, #tpu.memory_space<vmem>>, %arg6: memref<64x1xf32, #tpu.memory_space<vmem>>, %arg7: memref<1x64xf32, #tpu.memory_space<vmem>>, %arg8: memref<1x64xf32, #tpu.memory_space<vmem>>, %arg9: memref<1x64xf32, #tpu.memory_space<vmem>>, %arg10: memref<8x64xf32, #tpu.memory_space<vmem>>, %arg11: memref<1640x128xf32, #tpu.memory_space<vmem>>, %arg12: memref<512x577xf32, #tpu.memory_space<vmem>>, %arg13: memref<64x3xf32, #tpu.memory_space<vmem>>, %arg14: memref<8x64x1xf32, #tpu.memory_space<vmem>>, %arg15: memref<64x73xf32, #tpu.memory_space<vmem>>) attributes {dimension_semantics = [], scalar_prefetch = 0 : i64, scratch_operands = 1 : i64, tpu.core_type = #tpu.core_type<tc>} {
    %get3A = arith.constant 0 : index
    %get3A_0 = arith.constant 0 : index
    %get3A_1 = vector.load %arg0[%get3A, %get3A_0] : memref<10x1640xf32, #tpu.memory_space<vmem>>, vector<10x1640xf32>
    %get3A_2 = arith.constant 0 : index
    %get3A_3 = arith.constant 0 : index
    %get3A_4 = vector.load %arg1[%get3A_2, %get3A_3] : memref<10x64xf32, #tpu.memory_space<vmem>>, vector<10x64xf32>
    %dot_general3A = arith.constant dense<0.000000e+00> : vector<1640x64xf32>
    %dot_general3A_5 = tpu.matmul %get3A_1, %get3A_4, %dot_general3A {dimension_numbers = #tpu.dot_dimension_numbers<[0], [0], [1], [1], [0, 1, 1, 1], [], []>, transpose_lhs_hint = false} : vector<10x1640xf32>, vector<10x64xf32>, vector<1640x64xf32> -> vector<1640x64xf32>
    %get3A_6 = arith.constant 0 : index
    %get3A_7 = arith.constant 0 : index
    %get3A_8 = vector.load %arg2[%get3A_6, %get3A_7] : memref<1x64xf32, #tpu.memory_space<vmem>>, vector<1x64xf32>
    %add3A = vector.broadcast %get3A_8 : vector<1x64xf32> to vector<1640x64xf32>
    %add3A_9 = arith.addf %dot_general3A_5, %add3A : vector<1640x64xf32>
    %get3A_10 = arith.constant 0 : index
    %get3A_11 = arith.constant 0 : index
    %get3A_12 = vector.load %arg3[%get3A_10, %get3A_11] : memref<1x64xf32, #tpu.memory_space<vmem>>, vector<1x64xf32>
    %add3A_13 = vector.broadcast %get3A_12 : vector<1x64xf32> to vector<1640x64xf32>
    %add3A_14 = arith.addf %add3A_9, %add3A_13 : vector<1640x64xf32>
    %swap3A = arith.constant 0 : index
    %swap3A_15 = arith.constant 0 : index
    %swap3A_16 = vector.load %arg11[%swap3A, %swap3A_15] : memref<1640x128xf32, #tpu.memory_space<vmem>>, vector<1640x64xf32>
    tpu.vector_store %arg11[%swap3A, %swap3A_15], %add3A_14 {strides = array<i32>} : memref<1640x128xf32, #tpu.memory_space<vmem>>, vector<1640x64xf32>,
    %get3A_17 = arith.constant 0 : index
    %get3A_18 = arith.constant 0 : index
    %get3A_19 = vector.load %arg5[%get3A_17, %get3A_18] : memref<64x1152xf32, #tpu.memory_space<vmem>>, vector<64x1152xf32>
    %get3A_20 = arith.constant 0 : index
    %get3A_21 = arith.constant 0 : index
    %get3A_22 = vector.load %arg4[%get3A_20, %get3A_21] : memref<64x72xf32, #tpu.memory_space<vmem>>, vector<64x72xf32>
    %slice3A = vector.extract_strided_slice %get3A_19 {offsets = [0, 0], sizes = [64, 64], strides = [1, 1]} : vector<64x1152xf32> to vector<64x64xf32>
    %slice3A_23 = vector.extract_strided_slice %get3A_22 {offsets = [0, 0], sizes = [64, 4], strides = [1, 1]} : vector<64x72xf32> to vector<64x4xf32>
    %dot_general3A_24 = arith.constant dense<0.000000e+00> : vector<64x4xf32>
    %dot_general3A_25 = tpu.matmul %slice3A, %slice3A_23, %dot_general3A_24 {dimension_numbers = #tpu.dot_dimension_numbers<[1], [0], [0], [1], [0, 0, 1, 1], [], []>, transpose_lhs_hint = false} : vector<64x64xf32>, vector<64x4xf32>, vector<64x4xf32> -> vector<64x4xf32>
    %slice3A_26 = vector.extract_strided_slice %dot_general3A_25 {offsets = [0, 0], sizes = [64, 1], strides = [1, 1]} : vector<64x4xf32> to vector<64x1xf32>
    %swap3A_27 = arith.constant 0 : index
    %swap3A_28 = arith.constant 0 : index
    %swap3A_29 = vector.load %arg15[%swap3A_27, %swap3A_28] : memref<64x73xf32, #tpu.memory_space<vmem>>, vector<64x1xf32>
    tpu.vector_store %arg15[%swap3A_27, %swap3A_28], %slice3A_26 {strides = array<i32>} : memref<64x73xf32, #tpu.memory_space<vmem>>, vector<64x1xf32>,
    %slice3A_30 = vector.extract_strided_slice %dot_general3A_25 {offsets = [0, 1], sizes = [64, 1], strides = [1, 1]} : vector<64x4xf32> to vector<64x1xf32>
    %swap3A_31 = arith.constant 0 : index
    %swap3A_32 = arith.constant 18 : index
    %swap3A_33 = vector.load %arg15[%swap3A_31, %swap3A_32] : memref<64x73xf32, #tpu.memory_space<vmem>>, vector<64x1xf32>
    tpu.vector_store %arg15[%swap3A_31, %swap3A_32], %slice3A_30 {strides = array<i32>} : memref<64x73xf32, #tpu.memory_space<vmem>>, vector<64x1xf32>,
    %slice3A_34 = vector.extract_strided_slice %dot_general3A_25 {offsets = [0, 2], sizes = [64, 1], strides = [1, 1]} : vector<64x4xf32> to vector<64x1xf32>
    %swap3A_35 = arith.constant 0 : index
    %swap3A_36 = arith.constant 36 : index
    %swap3A_37 = vector.load %arg15[%swap3A_35, %swap3A_36] : memref<64x73xf32, #tpu.memory_space<vmem>>, vector<64x1xf32>
    tpu.vector_store %arg15[%swap3A_35, %swap3A_36], %slice3A_34 {strides = array<i32>} : memref<64x73xf32, #tpu.memory_space<vmem>>, vector<64x1xf32>,
    %slice3A_38 = vector.extract_strided_slice %dot_general3A_25 {offsets = [0, 3], sizes = [64, 1], strides = [1, 1]} : vector<64x4xf32> to vector<64x1xf32>
    %swap3A_39 = arith.constant 0 : index
    %swap3A_40 = arith.constant 54 : index
    %swap3A_41 = vector.load %arg15[%swap3A_39, %swap3A_40] : memref<64x73xf32, #tpu.memory_space<vmem>>, vector<64x1xf32>
    tpu.vector_store %arg15[%swap3A_39, %swap3A_40], %slice3A_38 {strides = array<i32>} : memref<64x73xf32, #tpu.memory_space<vmem>>, vector<64x1xf32>,
    %slice3A_42 = vector.extract_strided_slice %get3A_19 {offsets = [0, 64], sizes = [64, 64], strides = [1, 1]} : vector<64x1152xf32> to vector<64x64xf32>
    %slice3A_43 = vector.extract_strided_slice %get3A_22 {offsets = [0, 4], sizes = [64, 4], strides = [1, 1]} : vector<64x72xf32> to vector<64x4xf32>
    %dot_general3A_44 = arith.constant dense<0.000000e+00> : vector<64x4xf32>
    %dot_general3A_45 = tpu.matmul %slice3A_42, %slice3A_43, %dot_general3A_44 {dimension_numbers = #tpu.dot_dimension_numbers<[1], [0], [0], [1], [0, 0, 1, 1], [], []>, transpose_lhs_hint = false} : vector<64x64xf32>, vector<64x4xf32>, vector<64x4xf32> -> vector<64x4xf32>
    %slice3A_46 = vector.extract_strided_slice %dot_general3A_45 {offsets = [0, 0], sizes = [64, 1], strides = [1, 1]} : vector<64x4xf32> to vector<64x1xf32>
    %swap3A_47 = arith.constant 0 : index
    %swap3A_48 = arith.constant 1 : index
    %swap3A_49 = vector.load %arg15[%swap3A_47, %swap3A_48] : memref<64x73xf32, #tpu.memory_space<vmem>>, vector<64x1xf32>
    tpu.vector_store %arg15[%swap3A_47, %swap3A_48], %slice3A_46 {strides = array<i32>} : memref<64x73xf32, #tpu.memory_space<vmem>>, vector<64x1xf32>,
    %slice3A_50 = vector.extract_strided_slice %dot_general3A_45 {offsets = [0, 1], sizes = [64, 1], strides = [1, 1]} : vector<64x4xf32> to vector<64x1xf32>
    %swap3A_51 = arith.constant 0 : index
    %swap3A_52 = arith.constant 19 : index
    %swap3A_53 = vector.load %arg15[%swap3A_51, %swap3A_52] : memref<64x73xf32, #tpu.memory_space<vmem>>, vector<64x1xf32>
    tpu.vector_store %arg15[%swap3A_51, %swap3A_52], %slice3A_50 {strides = array<i32>} : memref<64x73xf32, #tpu.memory_space<vmem>>, vector<64x1xf32>,
    %slice3A_54 = vector.extract_strided_slice %dot_general3A_45 {offsets = [0, 2], sizes = [64, 1], strides = [1, 1]} : vector<64x4xf32> to vector<64x1xf32>
    %swap3A_55 = arith.constant 0 : index
    %swap3A_56 = arith.constant 37 : index
    %swap3A_57 = vector.load %arg15[%swap3A_55, %swap3A_56] : memref<64x73xf32, #tpu.memory_space<vmem>>, vector<64x1xf32>
    tpu.vector_store %arg15[%swap3A_55, %swap3A_56], %slice3A_54 {strides = array<i32>} : memref<64x73xf32, #tpu.memory_space<vmem>>, vector<64x1xf32>,
    %slice3A_58 = vector.extract_strided_slice %dot_general3A_45 {offsets = [0, 3], sizes = [64, 1], strides = [1, 1]} : vector<64x4xf32> to vector<64x1xf32>
    %swap3A_59 = arith.constant 0 : index
    %swap3A_60 = arith.constant 55 : index
    %swap3A_61 = vector.load %arg15[%swap3A_59, %swap3A_60] : memref<64x73xf32, #tpu.memory_space<vmem>>, vector<64x1xf32>
    tpu.vector_store %arg15[%swap3A_59, %swap3A_60], %slice3A_58 {strides = array<i32>} : memref<64x73xf32, #tpu.memory_space<vmem>>, vector<64x1xf32>,
    %slice3A_62 = vector.extract_strided_slice %get3A_19 {offsets = [0, 128], sizes = [64, 64], strides = [1, 1]} : vector<64x1152xf32> to vector<64x64xf32>
    %slice3A_63 = vector.extract_strided_slice %get3A_22 {offsets = [0, 8], sizes = [64, 4], strides = [1, 1]} : vector<64x72xf32> to vector<64x4xf32>
    %dot_general3A_64 = arith.constant dense<0.000000e+00> : vector<64x4xf32>
    %dot_general3A_65 = tpu.matmul %slice3A_62, %slice3A_63, %dot_general3A_64 {dimension_numbers = #tpu.dot_dimension_numbers<[1], [0], [0], [1], [0, 0, 1, 1], [], []>, transpose_lhs_hint = false} : vector<64x64xf32>, vector<64x4xf32>, vector<64x4xf32> -> vector<64x4xf32>
    %slice3A_66 = vector.extract_strided_slice %dot_general3A_65 {offsets = [0, 0], sizes = [64, 1], strides = [1, 1]} : vector<64x4xf32> to vector<64x1xf32>
    %swap3A_67 = arith.constant 0 : index
    %swap3A_68 = arith.constant 2 : index
    %swap3A_69 = vector.load %arg15[%swap3A_67, %swap3A_68] : memref<64x73xf32, #tpu.memory_space<vmem>>, vector<64x1xf32>
    tpu.vector_store %arg15[%swap3A_67, %swap3A_68], %slice3A_66 {strides = array<i32>} : memref<64x73xf32, #tpu.memory_space<vmem>>, vector<64x1xf32>,
    %slice3A_70 = vector.extract_strided_slice %dot_general3A_65 {offsets = [0, 1], sizes = [64, 1], strides = [1, 1]} : vector<64x4xf32> to vector<64x1xf32>
    %swap3A_71 = arith.constant 0 : index
    %swap3A_72 = arith.constant 20 : index
    %swap3A_73 = vector.load %arg15[%swap3A_71, %swap3A_72] : memref<64x73xf32, #tpu.memory_space<vmem>>, vector<64x1xf32>
    tpu.vector_store %arg15[%swap3A_71, %swap3A_72], %slice3A_70 {strides = array<i32>} : memref<64x73xf32, #tpu.memory_space<vmem>>, vector<64x1xf32>,
    %slice3A_74 = vector.extract_strided_slice %dot_general3A_65 {offsets = [0, 2], sizes = [64, 1], strides = [1, 1]} : vector<64x4xf32> to vector<64x1xf32>
    %swap3A_75 = arith.constant 0 : index
    %swap3A_76 = arith.constant 38 : index
    %swap3A_77 = vector.load %arg15[%swap3A_75, %swap3A_76] : memref<64x73xf32, #tpu.memory_space<vmem>>, vector<64x1xf32>
    tpu.vector_store %arg15[%swap3A_75, %swap3A_76], %slice3A_74 {strides = array<i32>} : memref<64x73xf32, #tpu.memory_space<vmem>>, vector<64x1xf32>,
    %slice3A_78 = vector.extract_strided_slice %dot_general3A_65 {offsets = [0, 3], sizes = [64, 1], strides = [1, 1]} : vector<64x4xf32> to vector<64x1xf32>
    %swap3A_79 = arith.constant 0 : index
    %swap3A_80 = arith.constant 56 : index
    %swap3A_81 = vector.load %arg15[%swap3A_79, %swap3A_80] : memref<64x73xf32, #tpu.memory_space<vmem>>, vector<64x1xf32>
    tpu.vector_store %arg15[%swap3A_79, %swap3A_80], %slice3A_78 {strides = array<i32>} : memref<64x73xf32, #tpu.memory_space<vmem>>, vector<64x1xf32>,
    %slice3A_82 = vector.extract_strided_slice %get3A_19 {offsets = [0, 192], sizes = [64, 64], strides = [1, 1]} : vector<64x1152xf32> to vector<64x64xf32>
    %slice3A_83 = vector.extract_strided_slice %get3A_22 {offsets = [0, 12], sizes = [64, 4], strides = [1, 1]} : vector<64x72xf32> to vector<64x4xf32>
    %dot_general3A_84 = arith.constant dense<0.000000e+00> : vector<64x4xf32>
    %dot_general3A_85 = tpu.matmul %slice3A_82, %slice3A_83, %dot_general3A_84 {dimension_numbers = #tpu.dot_dimension_numbers<[1], [0], [0], [1], [0, 0, 1, 1], [], []>, transpose_lhs_hint = false} : vector<64x64xf32>, vector<64x4xf32>, vector<64x4xf32> -> vector<64x4xf32>
    %slice3A_86 = vector.extract_strided_slice %dot_general3A_85 {offsets = [0, 0], sizes = [64, 1], strides = [1, 1]} : vector<64x4xf32> to vector<64x1xf32>
    %swap3A_87 = arith.constant 0 : index
    %swap3A_88 = arith.constant 3 : index
    %swap3A_89 = vector.load %arg15[%swap3A_87, %swap3A_88] : memref<64x73xf32, #tpu.memory_space<vmem>>, vector<64x1xf32>
    tpu.vector_store %arg15[%swap3A_87, %swap3A_88], %slice3A_86 {strides = array<i32>} : memref<64x73xf32, #tpu.memory_space<vmem>>, vector<64x1xf32>,
    %slice3A_90 = vector.extract_strided_slice %dot_general3A_85 {offsets = [0, 1], sizes = [64, 1], strides = [1, 1]} : vector<64x4xf32> to vector<64x1xf32>
    %swap3A_91 = arith.constant 0 : index
    %swap3A_92 = arith.constant 21 : index
    %swap3A_93 = vector.load %arg15[%swap3A_91, %swap3A_92] : memref<64x73xf32, #tpu.memory_space<vmem>>, vector<64x1xf32>
    tpu.vector_store %arg15[%swap3A_91, %swap3A_92], %slice3A_90 {strides = array<i32>} : memref<64x73xf32, #tpu.memory_space<vmem>>, vector<64x1xf32>,
    %slice3A_94 = vector.extract_strided_slice %dot_general3A_85 {offsets = [0, 2], sizes = [64, 1], strides = [1, 1]} : vector<64x4xf32> to vector<64x1xf32>
    %swap3A_95 = arith.constant 0 : index
    %swap3A_96 = arith.constant 39 : index
    %swap3A_97 = vector.load %arg15[%swap3A_95, %swap3A_96] : memref<64x73xf32, #tpu.memory_space<vmem>>, vector<64x1xf32>
    tpu.vector_store %arg15[%swap3A_95, %swap3A_96], %slice3A_94 {strides = array<i32>} : memref<64x73xf32, #tpu.memory_space<vmem>>, vector<64x1xf32>,
    %slice3A_98 = vector.extract_strided_slice %dot_general3A_85 {offsets = [0, 3], sizes = [64, 1], strides = [1, 1]} : vector<64x4xf32> to vector<64x1xf32>
    %swap3A_99 = arith.constant 0 : index
    %swap3A_100 = arith.constant 57 : index
    %swap3A_101 = vector.load %arg15[%swap3A_99, %swap3A_100] : memref<64x73xf32, #tpu.memory_space<vmem>>, vector<64x1xf32>
    tpu.vector_store %arg15[%swap3A_99, %swap3A_100], %slice3A_98 {strides = array<i32>} : memref<64x73xf32, #tpu.memory_space<vmem>>, vector<64x1xf32>,
    %slice3A_102 = vector.extract_strided_slice %get3A_19 {offsets = [0, 256], sizes = [64, 64], strides = [1, 1]} : vector<64x1152xf32> to vector<64x64xf32>
    %slice3A_103 = vector.extract_strided_slice %get3A_22 {offsets = [0, 16], sizes = [64, 4], strides = [1, 1]} : vector<64x72xf32> to vector<64x4xf32>
    %dot_general3A_104 = arith.constant dense<0.000000e+00> : vector<64x4xf32>
    %dot_general3A_105 = tpu.matmul %slice3A_102, %slice3A_103, %dot_general3A_104 {dimension_numbers = #tpu.dot_dimension_numbers<[1], [0], [0], [1], [0, 0, 1, 1], [], []>, transpose_lhs_hint = false} : vector<64x64xf32>, vector<64x4xf32>, vector<64x4xf32> -> vector<64x4xf32>
    %slice3A_106 = vector.extract_strided_slice %dot_general3A_105 {offsets = [0, 0], sizes = [64, 1], strides = [1, 1]} : vector<64x4xf32> to vector<64x1xf32>
    %swap3A_107 = arith.constant 0 : index
    %swap3A_108 = arith.constant 4 : index
    %swap3A_109 = vector.load %arg15[%swap3A_107, %swap3A_108] : memref<64x73xf32, #tpu.memory_space<vmem>>, vector<64x1xf32>
    tpu.vector_store %arg15[%swap3A_107, %swap3A_108], %slice3A_106 {strides = array<i32>} : memref<64x73xf32, #tpu.memory_space<vmem>>, vector<64x1xf32>,
    %slice3A_110 = vector.extract_strided_slice %dot_general3A_105 {offsets = [0, 1], sizes = [64, 1], strides = [1, 1]} : vector<64x4xf32> to vector<64x1xf32>
    %swap3A_111 = arith.constant 0 : index
    %swap3A_112 = arith.constant 22 : index
    %swap3A_113 = vector.load %arg15[%swap3A_111, %swap3A_112] : memref<64x73xf32, #tpu.memory_space<vmem>>, vector<64x1xf32>
    tpu.vector_store %arg15[%swap3A_111, %swap3A_112], %slice3A_110 {strides = array<i32>} : memref<64x73xf32, #tpu.memory_space<vmem>>, vector<64x1xf32>,
    %slice3A_114 = vector.extract_strided_slice %dot_general3A_105 {offsets = [0, 2], sizes = [64, 1], strides = [1, 1]} : vector<64x4xf32> to vector<64x1xf32>
    %swap3A_115 = arith.constant 0 : index
    %swap3A_116 = arith.constant 40 : index
    %swap3A_117 = vector.load %arg15[%swap3A_115, %swap3A_116] : memref<64x73xf32, #tpu.memory_space<vmem>>, vector<64x1xf32>
    tpu.vector_store %arg15[%swap3A_115, %swap3A_116], %slice3A_114 {strides = array<i32>} : memref<64x73xf32, #tpu.memory_space<vmem>>, vector<64x1xf32>,
    %slice3A_118 = vector.extract_strided_slice %dot_general3A_105 {offsets = [0, 3], sizes = [64, 1], strides = [1, 1]} : vector<64x4xf32> to vector<64x1xf32>
    %swap3A_119 = arith.constant 0 : index
    %swap3A_120 = arith.constant 58 : index
    %swap3A_121 = vector.load %arg15[%swap3A_119, %swap3A_120] : memref<64x73xf32, #tpu.memory_space<vmem>>, vector<64x1xf32>
    tpu.vector_store %arg15[%swap3A_119, %swap3A_120], %slice3A_118 {strides = array<i32>} : memref<64x73xf32, #tpu.memory_space<vmem>>, vector<64x1xf32>,
    %slice3A_122 = vector.extract_strided_slice %get3A_19 {offsets = [0, 320], sizes = [64, 64], strides = [1, 1]} : vector<64x1152xf32> to vector<64x64xf32>
    %slice3A_123 = vector.extract_strided_slice %get3A_22 {offsets = [0, 20], sizes = [64, 4], strides = [1, 1]} : vector<64x72xf32> to vector<64x4xf32>
    %dot_general3A_124 = arith.constant dense<0.000000e+00> : vector<64x4xf32>
    %dot_general3A_125 = tpu.matmul %slice3A_122, %slice3A_123, %dot_general3A_124 {dimension_numbers = #tpu.dot_dimension_numbers<[1], [0], [0], [1], [0, 0, 1, 1], [], []>, transpose_lhs_hint = false} : vector<64x64xf32>, vector<64x4xf32>, vector<64x4xf32> -> vector<64x4xf32>
    %slice3A_126 = vector.extract_strided_slice %dot_general3A_125 {offsets = [0, 0], sizes = [64, 1], strides = [1, 1]} : vector<64x4xf32> to vector<64x1xf32>
    %swap3A_127 = arith.constant 0 : index
    %swap3A_128 = arith.constant 5 : index
    %swap3A_129 = vector.load %arg15[%swap3A_127, %swap3A_128] : memref<64x73xf32, #tpu.memory_space<vmem>>, vector<64x1xf32>
    tpu.vector_store %arg15[%swap3A_127, %swap3A_128], %slice3A_126 {strides = array<i32>} : memref<64x73xf32, #tpu.memory_space<vmem>>, vector<64x1xf32>,
    %slice3A_130 = vector.extract_strided_slice %dot_general3A_125 {offsets = [0, 1], sizes = [64, 1], strides = [1, 1]} : vector<64x4xf32> to vector<64x1xf32>
    %swap3A_131 = arith.constant 0 : index
    %swap3A_132 = arith.constant 23 : index
    %swap3A_133 = vector.load %arg15[%swap3A_131, %swap3A_132] : memref<64x73xf32, #tpu.memory_space<vmem>>, vector<64x1xf32>
    tpu.vector_store %arg15[%swap3A_131, %swap3A_132], %slice3A_130 {strides = array<i32>} : memref<64x73xf32, #tpu.memory_space<vmem>>, vector<64x1xf32>,
    %slice3A_134 = vector.extract_strided_slice %dot_general3A_125 {offsets = [0, 2], sizes = [64, 1], strides = [1, 1]} : vector<64x4xf32> to vector<64x1xf32>
    %swap3A_135 = arith.constant 0 : index
    %swap3A_136 = arith.constant 41 : index
    %swap3A_137 = vector.load %arg15[%swap3A_135, %swap3A_136] : memref<64x73xf32, #tpu.memory_space<vmem>>, vector<64x1xf32>
    tpu.vector_store %arg15[%swap3A_135, %swap3A_136], %slice3A_134 {strides = array<i32>} : memref<64x73xf32, #tpu.memory_space<vmem>>, vector<64x1xf32>,
    %slice3A_138 = vector.extract_strided_slice %dot_general3A_125 {offsets = [0, 3], sizes = [64, 1], strides = [1, 1]} : vector<64x4xf32> to vector<64x1xf32>
    %swap3A_139 = arith.constant 0 : index
    %swap3A_140 = arith.constant 59 : index
    %swap3A_141 = vector.load %arg15[%swap3A_139, %swap3A_140] : memref<64x73xf32, #tpu.memory_space<vmem>>, vector<64x1xf32>
    tpu.vector_store %arg15[%swap3A_139, %swap3A_140], %slice3A_138 {strides = array<i32>} : memref<64x73xf32, #tpu.memory_space<vmem>>, vector<64x1xf32>,
    %slice3A_142 = vector.extract_strided_slice %get3A_19 {offsets = [0, 384], sizes = [64, 64], strides = [1, 1]} : vector<64x1152xf32> to vector<64x64xf32>
    %slice3A_143 = vector.extract_strided_slice %get3A_22 {offsets = [0, 24], sizes = [64, 4], strides = [1, 1]} : vector<64x72xf32> to vector<64x4xf32>
    %dot_general3A_144 = arith.constant dense<0.000000e+00> : vector<64x4xf32>
    %dot_general3A_145 = tpu.matmul %slice3A_142, %slice3A_143, %dot_general3A_144 {dimension_numbers = #tpu.dot_dimension_numbers<[1], [0], [0], [1], [0, 0, 1, 1], [], []>, transpose_lhs_hint = false} : vector<64x64xf32>, vector<64x4xf32>, vector<64x4xf32> -> vector<64x4xf32>
    %slice3A_146 = vector.extract_strided_slice %dot_general3A_145 {offsets = [0, 0], sizes = [64, 1], strides = [1, 1]} : vector<64x4xf32> to vector<64x1xf32>
    %swap3A_147 = arith.constant 0 : index
    %swap3A_148 = arith.constant 6 : index
    %swap3A_149 = vector.load %arg15[%swap3A_147, %swap3A_148] : memref<64x73xf32, #tpu.memory_space<vmem>>, vector<64x1xf32>
    tpu.vector_store %arg15[%swap3A_147, %swap3A_148], %slice3A_146 {strides = array<i32>} : memref<64x73xf32, #tpu.memory_space<vmem>>, vector<64x1xf32>,
    %slice3A_150 = vector.extract_strided_slice %dot_general3A_145 {offsets = [0, 1], sizes = [64, 1], strides = [1, 1]} : vector<64x4xf32> to vector<64x1xf32>
    %swap3A_151 = arith.constant 0 : index
    %swap3A_152 = arith.constant 24 : index
    %swap3A_153 = vector.load %arg15[%swap3A_151, %swap3A_152] : memref<64x73xf32, #tpu.memory_space<vmem>>, vector<64x1xf32>
    tpu.vector_store %arg15[%swap3A_151, %swap3A_152], %slice3A_150 {strides = array<i32>} : memref<64x73xf32, #tpu.memory_space<vmem>>, vector<64x1xf32>,
    %slice3A_154 = vector.extract_strided_slice %dot_general3A_145 {offsets = [0, 2], sizes = [64, 1], strides = [1, 1]} : vector<64x4xf32> to vector<64x1xf32>
    %swap3A_155 = arith.constant 0 : index
    %swap3A_156 = arith.constant 42 : index
    %swap3A_157 = vector.load %arg15[%swap3A_155, %swap3A_156] : memref<64x73xf32, #tpu.memory_space<vmem>>, vector<64x1xf32>
    tpu.vector_store %arg15[%swap3A_155, %swap3A_156], %slice3A_154 {strides = array<i32>} : memref<64x73xf32, #tpu.memory_space<vmem>>, vector<64x1xf32>,
    %slice3A_158 = vector.extract_strided_slice %dot_general3A_145 {offsets = [0, 3], sizes = [64, 1], strides = [1, 1]} : vector<64x4xf32> to vector<64x1xf32>
    %swap3A_159 = arith.constant 0 : index
    %swap3A_160 = arith.constant 60 : index
    %swap3A_161 = vector.load %arg15[%swap3A_159, %swap3A_160] : memref<64x73xf32, #tpu.memory_space<vmem>>, vector<64x1xf32>
    tpu.vector_store %arg15[%swap3A_159, %swap3A_160], %slice3A_158 {strides = array<i32>} : memref<64x73xf32, #tpu.memory_space<vmem>>, vector<64x1xf32>,
    %slice3A_162 = vector.extract_strided_slice %get3A_19 {offsets = [0, 448], sizes = [64, 64], strides = [1, 1]} : vector<64x1152xf32> to vector<64x64xf32>
    %slice3A_163 = vector.extract_strided_slice %get3A_22 {offsets = [0, 28], sizes = [64, 4], strides = [1, 1]} : vector<64x72xf32> to vector<64x4xf32>
    %dot_general3A_164 = arith.constant dense<0.000000e+00> : vector<64x4xf32>
    %dot_general3A_165 = tpu.matmul %slice3A_162, %slice3A_163, %dot_general3A_164 {dimension_numbers = #tpu.dot_dimension_numbers<[1], [0], [0], [1], [0, 0, 1, 1], [], []>, transpose_lhs_hint = false} : vector<64x64xf32>, vector<64x4xf32>, vector<64x4xf32> -> vector<64x4xf32>
    %slice3A_166 = vector.extract_strided_slice %dot_general3A_165 {offsets = [0, 0], sizes = [64, 1], strides = [1, 1]} : vector<64x4xf32> to vector<64x1xf32>
    %swap3A_167 = arith.constant 0 : index
    %swap3A_168 = arith.constant 7 : index
    %swap3A_169 = vector.load %arg15[%swap3A_167, %swap3A_168] : memref<64x73xf32, #tpu.memory_space<vmem>>, vector<64x1xf32>
    tpu.vector_store %arg15[%swap3A_167, %swap3A_168], %slice3A_166 {strides = array<i32>} : memref<64x73xf32, #tpu.memory_space<vmem>>, vector<64x1xf32>,
    %slice3A_170 = vector.extract_strided_slice %dot_general3A_165 {offsets = [0, 1], sizes = [64, 1], strides = [1, 1]} : vector<64x4xf32> to vector<64x1xf32>
    %swap3A_171 = arith.constant 0 : index
    %swap3A_172 = arith.constant 25 : index
    %swap3A_173 = vector.load %arg15[%swap3A_171, %swap3A_172] : memref<64x73xf32, #tpu.memory_space<vmem>>, vector<64x1xf32>
    tpu.vector_store %arg15[%swap3A_171, %swap3A_172], %slice3A_170 {strides = array<i32>} : memref<64x73xf32, #tpu.memory_space<vmem>>, vector<64x1xf32>,
    %slice3A_174 = vector.extract_strided_slice %dot_general3A_165 {offsets = [0, 2], sizes = [64, 1], strides = [1, 1]} : vector<64x4xf32> to vector<64x1xf32>
    %swap3A_175 = arith.constant 0 : index
    %swap3A_176 = arith.constant 43 : index
    %swap3A_177 = vector.load %arg15[%swap3A_175, %swap3A_176] : memref<64x73xf32, #tpu.memory_space<vmem>>, vector<64x1xf32>
    tpu.vector_store %arg15[%swap3A_175, %swap3A_176], %slice3A_174 {strides = array<i32>} : memref<64x73xf32, #tpu.memory_space<vmem>>, vector<64x1xf32>,
    %slice3A_178 = vector.extract_strided_slice %dot_general3A_165 {offsets = [0, 3], sizes = [64, 1], strides = [1, 1]} : vector<64x4xf32> to vector<64x1xf32>
    %swap3A_179 = arith.constant 0 : index
    %swap3A_180 = arith.constant 61 : index
    %swap3A_181 = vector.load %arg15[%swap3A_179, %swap3A_180] : memref<64x73xf32, #tpu.memory_space<vmem>>, vector<64x1xf32>
    tpu.vector_store %arg15[%swap3A_179, %swap3A_180], %slice3A_178 {strides = array<i32>} : memref<64x73xf32, #tpu.memory_space<vmem>>, vector<64x1xf32>,
    %slice3A_182 = vector.extract_strided_slice %get3A_19 {offsets = [0, 512], sizes = [64, 64], strides = [1, 1]} : vector<64x1152xf32> to vector<64x64xf32>
    %slice3A_183 = vector.extract_strided_slice %get3A_22 {offsets = [0, 32], sizes = [64, 4], strides = [1, 1]} : vector<64x72xf32> to vector<64x4xf32>
    %dot_general3A_184 = arith.constant dense<0.000000e+00> : vector<64x4xf32>
    %dot_general3A_185 = tpu.matmul %slice3A_182, %slice3A_183, %dot_general3A_184 {dimension_numbers = #tpu.dot_dimension_numbers<[1], [0], [0], [1], [0, 0, 1, 1], [], []>, transpose_lhs_hint = false} : vector<64x64xf32>, vector<64x4xf32>, vector<64x4xf32> -> vector<64x4xf32>
    %slice3A_186 = vector.extract_strided_slice %dot_general3A_185 {offsets = [0, 0], sizes = [64, 1], strides = [1, 1]} : vector<64x4xf32> to vector<64x1xf32>
    %swap3A_187 = arith.constant 0 : index
    %swap3A_188 = arith.constant 8 : index
    %swap3A_189 = vector.load %arg15[%swap3A_187, %swap3A_188] : memref<64x73xf32, #tpu.memory_space<vmem>>, vector<64x1xf32>
    tpu.vector_store %arg15[%swap3A_187, %swap3A_188], %slice3A_186 {strides = array<i32>} : memref<64x73xf32, #tpu.memory_space<vmem>>, vector<64x1xf32>,
    %slice3A_190 = vector.extract_strided_slice %dot_general3A_185 {offsets = [0, 1], sizes = [64, 1], strides = [1, 1]} : vector<64x4xf32> to vector<64x1xf32>
    %swap3A_191 = arith.constant 0 : index
    %swap3A_192 = arith.constant 26 : index
    %swap3A_193 = vector.load %arg15[%swap3A_191, %swap3A_192] : memref<64x73xf32, #tpu.memory_space<vmem>>, vector<64x1xf32>
    tpu.vector_store %arg15[%swap3A_191, %swap3A_192], %slice3A_190 {strides = array<i32>} : memref<64x73xf32, #tpu.memory_space<vmem>>, vector<64x1xf32>,
    %slice3A_194 = vector.extract_strided_slice %dot_general3A_185 {offsets = [0, 2], sizes = [64, 1], strides = [1, 1]} : vector<64x4xf32> to vector<64x1xf32>
    %swap3A_195 = arith.constant 0 : index
    %swap3A_196 = arith.constant 44 : index
    %swap3A_197 = vector.load %arg15[%swap3A_195, %swap3A_196] : memref<64x73xf32, #tpu.memory_space<vmem>>, vector<64x1xf32>
    tpu.vector_store %arg15[%swap3A_195, %swap3A_196], %slice3A_194 {strides = array<i32>} : memref<64x73xf32, #tpu.memory_space<vmem>>, vector<64x1xf32>,
    %slice3A_198 = vector.extract_strided_slice %dot_general3A_185 {offsets = [0, 3], sizes = [64, 1], strides = [1, 1]} : vector<64x4xf32> to vector<64x1xf32>
    %swap3A_199 = arith.constant 0 : index
    %swap3A_200 = arith.constant 62 : index
    %swap3A_201 = vector.load %arg15[%swap3A_199, %swap3A_200] : memref<64x73xf32, #tpu.memory_space<vmem>>, vector<64x1xf32>
    tpu.vector_store %arg15[%swap3A_199, %swap3A_200], %slice3A_198 {strides = array<i32>} : memref<64x73xf32, #tpu.memory_space<vmem>>, vector<64x1xf32>,
    %slice3A_202 = vector.extract_strided_slice %get3A_19 {offsets = [0, 576], sizes = [64, 64], strides = [1, 1]} : vector<64x1152xf32> to vector<64x64xf32>
    %slice3A_203 = vector.extract_strided_slice %get3A_22 {offsets = [0, 36], sizes = [64, 4], strides = [1, 1]} : vector<64x72xf32> to vector<64x4xf32>
    %dot_general3A_204 = arith.constant dense<0.000000e+00> : vector<64x4xf32>
    %dot_general3A_205 = tpu.matmul %slice3A_202, %slice3A_203, %dot_general3A_204 {dimension_numbers = #tpu.dot_dimension_numbers<[1], [0], [0], [1], [0, 0, 1, 1], [], []>, transpose_lhs_hint = false} : vector<64x64xf32>, vector<64x4xf32>, vector<64x4xf32> -> vector<64x4xf32>
    %slice3A_206 = vector.extract_strided_slice %dot_general3A_205 {offsets = [0, 0], sizes = [64, 1], strides = [1, 1]} : vector<64x4xf32> to vector<64x1xf32>
    %swap3A_207 = arith.constant 0 : index
    %swap3A_208 = arith.constant 9 : index
    %swap3A_209 = vector.load %arg15[%swap3A_207, %swap3A_208] : memref<64x73xf32, #tpu.memory_space<vmem>>, vector<64x1xf32>
    tpu.vector_store %arg15[%swap3A_207, %swap3A_208], %slice3A_206 {strides = array<i32>} : memref<64x73xf32, #tpu.memory_space<vmem>>, vector<64x1xf32>,
    %slice3A_210 = vector.extract_strided_slice %dot_general3A_205 {offsets = [0, 1], sizes = [64, 1], strides = [1, 1]} : vector<64x4xf32> to vector<64x1xf32>
    %swap3A_211 = arith.constant 0 : index
    %swap3A_212 = arith.constant 27 : index
    %swap3A_213 = vector.load %arg15[%swap3A_211, %swap3A_212] : memref<64x73xf32, #tpu.memory_space<vmem>>, vector<64x1xf32>
    tpu.vector_store %arg15[%swap3A_211, %swap3A_212], %slice3A_210 {strides = array<i32>} : memref<64x73xf32, #tpu.memory_space<vmem>>, vector<64x1xf32>,
    %slice3A_214 = vector.extract_strided_slice %dot_general3A_205 {offsets = [0, 2], sizes = [64, 1], strides = [1, 1]} : vector<64x4xf32> to vector<64x1xf32>
    %swap3A_215 = arith.constant 0 : index
    %swap3A_216 = arith.constant 45 : index
    %swap3A_217 = vector.load %arg15[%swap3A_215, %swap3A_216] : memref<64x73xf32, #tpu.memory_space<vmem>>, vector<64x1xf32>
    tpu.vector_store %arg15[%swap3A_215, %swap3A_216], %slice3A_214 {strides = array<i32>} : memref<64x73xf32, #tpu.memory_space<vmem>>, vector<64x1xf32>,
    %slice3A_218 = vector.extract_strided_slice %dot_general3A_205 {offsets = [0, 3], sizes = [64, 1], strides = [1, 1]} : vector<64x4xf32> to vector<64x1xf32>
    %swap3A_219 = arith.constant 0 : index
    %swap3A_220 = arith.constant 63 : index
    %swap3A_221 = vector.load %arg15[%swap3A_219, %swap3A_220] : memref<64x73xf32, #tpu.memory_space<vmem>>, vector<64x1xf32>
    tpu.vector_store %arg15[%swap3A_219, %swap3A_220], %slice3A_218 {strides = array<i32>} : memref<64x73xf32, #tpu.memory_space<vmem>>, vector<64x1xf32>,
    %slice3A_222 = vector.extract_strided_slice %get3A_19 {offsets = [0, 640], sizes = [64, 64], strides = [1, 1]} : vector<64x1152xf32> to vector<64x64xf32>
    %slice3A_223 = vector.extract_strided_slice %get3A_22 {offsets = [0, 40], sizes = [64, 4], strides = [1, 1]} : vector<64x72xf32> to vector<64x4xf32>
    %dot_general3A_224 = arith.constant dense<0.000000e+00> : vector<64x4xf32>
    %dot_general3A_225 = tpu.matmul %slice3A_222, %slice3A_223, %dot_general3A_224 {dimension_numbers = #tpu.dot_dimension_numbers<[1], [0], [0], [1], [0, 0, 1, 1], [], []>, transpose_lhs_hint = false} : vector<64x64xf32>, vector<64x4xf32>, vector<64x4xf32> -> vector<64x4xf32>
    %slice3A_226 = vector.extract_strided_slice %dot_general3A_225 {offsets = [0, 0], sizes = [64, 1], strides = [1, 1]} : vector<64x4xf32> to vector<64x1xf32>
    %swap3A_227 = arith.constant 0 : index
    %swap3A_228 = arith.constant 10 : index
    %swap3A_229 = vector.load %arg15[%swap3A_227, %swap3A_228] : memref<64x73xf32, #tpu.memory_space<vmem>>, vector<64x1xf32>
    tpu.vector_store %arg15[%swap3A_227, %swap3A_228], %slice3A_226 {strides = array<i32>} : memref<64x73xf32, #tpu.memory_space<vmem>>, vector<64x1xf32>,
    %slice3A_230 = vector.extract_strided_slice %dot_general3A_225 {offsets = [0, 1], sizes = [64, 1], strides = [1, 1]} : vector<64x4xf32> to vector<64x1xf32>
    %swap3A_231 = arith.constant 0 : index
    %swap3A_232 = arith.constant 28 : index
    %swap3A_233 = vector.load %arg15[%swap3A_231, %swap3A_232] : memref<64x73xf32, #tpu.memory_space<vmem>>, vector<64x1xf32>
    tpu.vector_store %arg15[%swap3A_231, %swap3A_232], %slice3A_230 {strides = array<i32>} : memref<64x73xf32, #tpu.memory_space<vmem>>, vector<64x1xf32>,
    %slice3A_234 = vector.extract_strided_slice %dot_general3A_225 {offsets = [0, 2], sizes = [64, 1], strides = [1, 1]} : vector<64x4xf32> to vector<64x1xf32>
    %swap3A_235 = arith.constant 0 : index
    %swap3A_236 = arith.constant 46 : index
    %swap3A_237 = vector.load %arg15[%swap3A_235, %swap3A_236] : memref<64x73xf32, #tpu.memory_space<vmem>>, vector<64x1xf32>
    tpu.vector_store %arg15[%swap3A_235, %swap3A_236], %slice3A_234 {strides = array<i32>} : memref<64x73xf32, #tpu.memory_space<vmem>>, vector<64x1xf32>,
    %slice3A_238 = vector.extract_strided_slice %dot_general3A_225 {offsets = [0, 3], sizes = [64, 1], strides = [1, 1]} : vector<64x4xf32> to vector<64x1xf32>
    %swap3A_239 = arith.constant 0 : index
    %swap3A_240 = arith.constant 64 : index
    %swap3A_241 = vector.load %arg15[%swap3A_239, %swap3A_240] : memref<64x73xf32, #tpu.memory_space<vmem>>, vector<64x1xf32>
    tpu.vector_store %arg15[%swap3A_239, %swap3A_240], %slice3A_238 {strides = array<i32>} : memref<64x73xf32, #tpu.memory_space<vmem>>, vector<64x1xf32>,
    %slice3A_242 = vector.extract_strided_slice %get3A_19 {offsets = [0, 704], sizes = [64, 64], strides = [1, 1]} : vector<64x1152xf32> to vector<64x64xf32>
    %slice3A_243 = vector.extract_strided_slice %get3A_22 {offsets = [0, 44], sizes = [64, 4], strides = [1, 1]} : vector<64x72xf32> to vector<64x4xf32>
    %dot_general3A_244 = arith.constant dense<0.000000e+00> : vector<64x4xf32>
    %dot_general3A_245 = tpu.matmul %slice3A_242, %slice3A_243, %dot_general3A_244 {dimension_numbers = #tpu.dot_dimension_numbers<[1], [0], [0], [1], [0, 0, 1, 1], [], []>, transpose_lhs_hint = false} : vector<64x64xf32>, vector<64x4xf32>, vector<64x4xf32> -> vector<64x4xf32>
    %slice3A_246 = vector.extract_strided_slice %dot_general3A_245 {offsets = [0, 0], sizes = [64, 1], strides = [1, 1]} : vector<64x4xf32> to vector<64x1xf32>
    %swap3A_247 = arith.constant 0 : index
    %swap3A_248 = arith.constant 11 : index
    %swap3A_249 = vector.load %arg15[%swap3A_247, %swap3A_248] : memref<64x73xf32, #tpu.memory_space<vmem>>, vector<64x1xf32>
    tpu.vector_store %arg15[%swap3A_247, %swap3A_248], %slice3A_246 {strides = array<i32>} : memref<64x73xf32, #tpu.memory_space<vmem>>, vector<64x1xf32>,
    %slice3A_250 = vector.extract_strided_slice %dot_general3A_245 {offsets = [0, 1], sizes = [64, 1], strides = [1, 1]} : vector<64x4xf32> to vector<64x1xf32>
    %swap3A_251 = arith.constant 0 : index
    %swap3A_252 = arith.constant 29 : index
    %swap3A_253 = vector.load %arg15[%swap3A_251, %swap3A_252] : memref<64x73xf32, #tpu.memory_space<vmem>>, vector<64x1xf32>
    tpu.vector_store %arg15[%swap3A_251, %swap3A_252], %slice3A_250 {strides = array<i32>} : memref<64x73xf32, #tpu.memory_space<vmem>>, vector<64x1xf32>,
    %slice3A_254 = vector.extract_strided_slice %dot_general3A_245 {offsets = [0, 2], sizes = [64, 1], strides = [1, 1]} : vector<64x4xf32> to vector<64x1xf32>
    %swap3A_255 = arith.constant 0 : index
    %swap3A_256 = arith.constant 47 : index
    %swap3A_257 = vector.load %arg15[%swap3A_255, %swap3A_256] : memref<64x73xf32, #tpu.memory_space<vmem>>, vector<64x1xf32>
    tpu.vector_store %arg15[%swap3A_255, %swap3A_256], %slice3A_254 {strides = array<i32>} : memref<64x73xf32, #tpu.memory_space<vmem>>, vector<64x1xf32>,
    %slice3A_258 = vector.extract_strided_slice %dot_general3A_245 {offsets = [0, 3], sizes = [64, 1], strides = [1, 1]} : vector<64x4xf32> to vector<64x1xf32>
    %swap3A_259 = arith.constant 0 : index
    %swap3A_260 = arith.constant 65 : index
    %swap3A_261 = vector.load %arg15[%swap3A_259, %swap3A_260] : memref<64x73xf32, #tpu.memory_space<vmem>>, vector<64x1xf32>
    tpu.vector_store %arg15[%swap3A_259, %swap3A_260], %slice3A_258 {strides = array<i32>} : memref<64x73xf32, #tpu.memory_space<vmem>>, vector<64x1xf32>,
    %slice3A_262 = vector.extract_strided_slice %get3A_19 {offsets = [0, 768], sizes = [64, 64], strides = [1, 1]} : vector<64x1152xf32> to vector<64x64xf32>
    %slice3A_263 = vector.extract_strided_slice %get3A_22 {offsets = [0, 48], sizes = [64, 4], strides = [1, 1]} : vector<64x72xf32> to vector<64x4xf32>
    %dot_general3A_264 = arith.constant dense<0.000000e+00> : vector<64x4xf32>
    %dot_general3A_265 = tpu.matmul %slice3A_262, %slice3A_263, %dot_general3A_264 {dimension_numbers = #tpu.dot_dimension_numbers<[1], [0], [0], [1], [0, 0, 1, 1], [], []>, transpose_lhs_hint = false} : vector<64x64xf32>, vector<64x4xf32>, vector<64x4xf32> -> vector<64x4xf32>
    %slice3A_266 = vector.extract_strided_slice %dot_general3A_265 {offsets = [0, 0], sizes = [64, 1], strides = [1, 1]} : vector<64x4xf32> to vector<64x1xf32>
    %swap3A_267 = arith.constant 0 : index
    %swap3A_268 = arith.constant 12 : index
    %swap3A_269 = vector.load %arg15[%swap3A_267, %swap3A_268] : memref<64x73xf32, #tpu.memory_space<vmem>>, vector<64x1xf32>
    tpu.vector_store %arg15[%swap3A_267, %swap3A_268], %slice3A_266 {strides = array<i32>} : memref<64x73xf32, #tpu.memory_space<vmem>>, vector<64x1xf32>,
    %slice3A_270 = vector.extract_strided_slice %dot_general3A_265 {offsets = [0, 1], sizes = [64, 1], strides = [1, 1]} : vector<64x4xf32> to vector<64x1xf32>
    %swap3A_271 = arith.constant 0 : index
    %swap3A_272 = arith.constant 30 : index
    %swap3A_273 = vector.load %arg15[%swap3A_271, %swap3A_272] : memref<64x73xf32, #tpu.memory_space<vmem>>, vector<64x1xf32>
    tpu.vector_store %arg15[%swap3A_271, %swap3A_272], %slice3A_270 {strides = array<i32>} : memref<64x73xf32, #tpu.memory_space<vmem>>, vector<64x1xf32>,
    %slice3A_274 = vector.extract_strided_slice %dot_general3A_265 {offsets = [0, 2], sizes = [64, 1], strides = [1, 1]} : vector<64x4xf32> to vector<64x1xf32>
    %swap3A_275 = arith.constant 0 : index
    %swap3A_276 = arith.constant 48 : index
    %swap3A_277 = vector.load %arg15[%swap3A_275, %swap3A_276] : memref<64x73xf32, #tpu.memory_space<vmem>>, vector<64x1xf32>
    tpu.vector_store %arg15[%swap3A_275, %swap3A_276], %slice3A_274 {strides = array<i32>} : memref<64x73xf32, #tpu.memory_space<vmem>>, vector<64x1xf32>,
    %slice3A_278 = vector.extract_strided_slice %dot_general3A_265 {offsets = [0, 3], sizes = [64, 1], strides = [1, 1]} : vector<64x4xf32> to vector<64x1xf32>
    %swap3A_279 = arith.constant 0 : index
    %swap3A_280 = arith.constant 66 : index
    %swap3A_281 = vector.load %arg15[%swap3A_279, %swap3A_280] : memref<64x73xf32, #tpu.memory_space<vmem>>, vector<64x1xf32>
    tpu.vector_store %arg15[%swap3A_279, %swap3A_280], %slice3A_278 {strides = array<i32>} : memref<64x73xf32, #tpu.memory_space<vmem>>, vector<64x1xf32>,
    %slice3A_282 = vector.extract_strided_slice %get3A_19 {offsets = [0, 832], sizes = [64, 64], strides = [1, 1]} : vector<64x1152xf32> to vector<64x64xf32>
    %slice3A_283 = vector.extract_strided_slice %get3A_22 {offsets = [0, 52], sizes = [64, 4], strides = [1, 1]} : vector<64x72xf32> to vector<64x4xf32>
    %dot_general3A_284 = arith.constant dense<0.000000e+00> : vector<64x4xf32>
    %dot_general3A_285 = tpu.matmul %slice3A_282, %slice3A_283, %dot_general3A_284 {dimension_numbers = #tpu.dot_dimension_numbers<[1], [0], [0], [1], [0, 0, 1, 1], [], []>, transpose_lhs_hint = false} : vector<64x64xf32>, vector<64x4xf32>, vector<64x4xf32> -> vector<64x4xf32>
    %slice3A_286 = vector.extract_strided_slice %dot_general3A_285 {offsets = [0, 0], sizes = [64, 1], strides = [1, 1]} : vector<64x4xf32> to vector<64x1xf32>
    %swap3A_287 = arith.constant 0 : index
    %swap3A_288 = arith.constant 13 : index
    %swap3A_289 = vector.load %arg15[%swap3A_287, %swap3A_288] : memref<64x73xf32, #tpu.memory_space<vmem>>, vector<64x1xf32>
    tpu.vector_store %arg15[%swap3A_287, %swap3A_288], %slice3A_286 {strides = array<i32>} : memref<64x73xf32, #tpu.memory_space<vmem>>, vector<64x1xf32>,
    %slice3A_290 = vector.extract_strided_slice %dot_general3A_285 {offsets = [0, 1], sizes = [64, 1], strides = [1, 1]} : vector<64x4xf32> to vector<64x1xf32>
    %swap3A_291 = arith.constant 0 : index
    %swap3A_292 = arith.constant 31 : index
    %swap3A_293 = vector.load %arg15[%swap3A_291, %swap3A_292] : memref<64x73xf32, #tpu.memory_space<vmem>>, vector<64x1xf32>
    tpu.vector_store %arg15[%swap3A_291, %swap3A_292], %slice3A_290 {strides = array<i32>} : memref<64x73xf32, #tpu.memory_space<vmem>>, vector<64x1xf32>,
    %slice3A_294 = vector.extract_strided_slice %dot_general3A_285 {offsets = [0, 2], sizes = [64, 1], strides = [1, 1]} : vector<64x4xf32> to vector<64x1xf32>
    %swap3A_295 = arith.constant 0 : index
    %swap3A_296 = arith.constant 49 : index
    %swap3A_297 = vector.load %arg15[%swap3A_295, %swap3A_296] : memref<64x73xf32, #tpu.memory_space<vmem>>, vector<64x1xf32>
    tpu.vector_store %arg15[%swap3A_295, %swap3A_296], %slice3A_294 {strides = array<i32>} : memref<64x73xf32, #tpu.memory_space<vmem>>, vector<64x1xf32>,
    %slice3A_298 = vector.extract_strided_slice %dot_general3A_285 {offsets = [0, 3], sizes = [64, 1], strides = [1, 1]} : vector<64x4xf32> to vector<64x1xf32>
    %swap3A_299 = arith.constant 0 : index
    %swap3A_300 = arith.constant 67 : index
    %swap3A_301 = vector.load %arg15[%swap3A_299, %swap3A_300] : memref<64x73xf32, #tpu.memory_space<vmem>>, vector<64x1xf32>
    tpu.vector_store %arg15[%swap3A_299, %swap3A_300], %slice3A_298 {strides = array<i32>} : memref<64x73xf32, #tpu.memory_space<vmem>>, vector<64x1xf32>,
    %slice3A_302 = vector.extract_strided_slice %get3A_19 {offsets = [0, 896], sizes = [64, 64], strides = [1, 1]} : vector<64x1152xf32> to vector<64x64xf32>
    %slice3A_303 = vector.extract_strided_slice %get3A_22 {offsets = [0, 56], sizes = [64, 4], strides = [1, 1]} : vector<64x72xf32> to vector<64x4xf32>
    %dot_general3A_304 = arith.constant dense<0.000000e+00> : vector<64x4xf32>
    %dot_general3A_305 = tpu.matmul %slice3A_302, %slice3A_303, %dot_general3A_304 {dimension_numbers = #tpu.dot_dimension_numbers<[1], [0], [0], [1], [0, 0, 1, 1], [], []>, transpose_lhs_hint = false} : vector<64x64xf32>, vector<64x4xf32>, vector<64x4xf32> -> vector<64x4xf32>
    %slice3A_306 = vector.extract_strided_slice %dot_general3A_305 {offsets = [0, 0], sizes = [64, 1], strides = [1, 1]} : vector<64x4xf32> to vector<64x1xf32>
    %swap3A_307 = arith.constant 0 : index
    %swap3A_308 = arith.constant 14 : index
    %swap3A_309 = vector.load %arg15[%swap3A_307, %swap3A_308] : memref<64x73xf32, #tpu.memory_space<vmem>>, vector<64x1xf32>
    tpu.vector_store %arg15[%swap3A_307, %swap3A_308], %slice3A_306 {strides = array<i32>} : memref<64x73xf32, #tpu.memory_space<vmem>>, vector<64x1xf32>,
    %slice3A_310 = vector.extract_strided_slice %dot_general3A_305 {offsets = [0, 1], sizes = [64, 1], strides = [1, 1]} : vector<64x4xf32> to vector<64x1xf32>
    %swap3A_311 = arith.constant 0 : index
    %swap3A_312 = arith.constant 32 : index
    %swap3A_313 = vector.load %arg15[%swap3A_311, %swap3A_312] : memref<64x73xf32, #tpu.memory_space<vmem>>, vector<64x1xf32>
    tpu.vector_store %arg15[%swap3A_311, %swap3A_312], %slice3A_310 {strides = array<i32>} : memref<64x73xf32, #tpu.memory_space<vmem>>, vector<64x1xf32>,
    %slice3A_314 = vector.extract_strided_slice %dot_general3A_305 {offsets = [0, 2], sizes = [64, 1], strides = [1, 1]} : vector<64x4xf32> to vector<64x1xf32>
    %swap3A_315 = arith.constant 0 : index
    %swap3A_316 = arith.constant 50 : index
    %swap3A_317 = vector.load %arg15[%swap3A_315, %swap3A_316] : memref<64x73xf32, #tpu.memory_space<vmem>>, vector<64x1xf32>
    tpu.vector_store %arg15[%swap3A_315, %swap3A_316], %slice3A_314 {strides = array<i32>} : memref<64x73xf32, #tpu.memory_space<vmem>>, vector<64x1xf32>,
    %slice3A_318 = vector.extract_strided_slice %dot_general3A_305 {offsets = [0, 3], sizes = [64, 1], strides = [1, 1]} : vector<64x4xf32> to vector<64x1xf32>
    %swap3A_319 = arith.constant 0 : index
    %swap3A_320 = arith.constant 68 : index
    %swap3A_321 = vector.load %arg15[%swap3A_319, %swap3A_320] : memref<64x73xf32, #tpu.memory_space<vmem>>, vector<64x1xf32>
    tpu.vector_store %arg15[%swap3A_319, %swap3A_320], %slice3A_318 {strides = array<i32>} : memref<64x73xf32, #tpu.memory_space<vmem>>, vector<64x1xf32>,
    %slice3A_322 = vector.extract_strided_slice %get3A_19 {offsets = [0, 960], sizes = [64, 64], strides = [1, 1]} : vector<64x1152xf32> to vector<64x64xf32>
    %slice3A_323 = vector.extract_strided_slice %get3A_22 {offsets = [0, 60], sizes = [64, 4], strides = [1, 1]} : vector<64x72xf32> to vector<64x4xf32>
    %dot_general3A_324 = arith.constant dense<0.000000e+00> : vector<64x4xf32>
    %dot_general3A_325 = tpu.matmul %slice3A_322, %slice3A_323, %dot_general3A_324 {dimension_numbers = #tpu.dot_dimension_numbers<[1], [0], [0], [1], [0, 0, 1, 1], [], []>, transpose_lhs_hint = false} : vector<64x64xf32>, vector<64x4xf32>, vector<64x4xf32> -> vector<64x4xf32>
    %slice3A_326 = vector.extract_strided_slice %dot_general3A_325 {offsets = [0, 0], sizes = [64, 1], strides = [1, 1]} : vector<64x4xf32> to vector<64x1xf32>
    %swap3A_327 = arith.constant 0 : index
    %swap3A_328 = arith.constant 15 : index
    %swap3A_329 = vector.load %arg15[%swap3A_327, %swap3A_328] : memref<64x73xf32, #tpu.memory_space<vmem>>, vector<64x1xf32>
    tpu.vector_store %arg15[%swap3A_327, %swap3A_328], %slice3A_326 {strides = array<i32>} : memref<64x73xf32, #tpu.memory_space<vmem>>, vector<64x1xf32>,
    %slice3A_330 = vector.extract_strided_slice %dot_general3A_325 {offsets = [0, 1], sizes = [64, 1], strides = [1, 1]} : vector<64x4xf32> to vector<64x1xf32>
    %swap3A_331 = arith.constant 0 : index
    %swap3A_332 = arith.constant 33 : index
    %swap3A_333 = vector.load %arg15[%swap3A_331, %swap3A_332] : memref<64x73xf32, #tpu.memory_space<vmem>>, vector<64x1xf32>
    tpu.vector_store %arg15[%swap3A_331, %swap3A_332], %slice3A_330 {strides = array<i32>} : memref<64x73xf32, #tpu.memory_space<vmem>>, vector<64x1xf32>,
    %slice3A_334 = vector.extract_strided_slice %dot_general3A_325 {offsets = [0, 2], sizes = [64, 1], strides = [1, 1]} : vector<64x4xf32> to vector<64x1xf32>
    %swap3A_335 = arith.constant 0 : index
    %swap3A_336 = arith.constant 51 : index
    %swap3A_337 = vector.load %arg15[%swap3A_335, %swap3A_336] : memref<64x73xf32, #tpu.memory_space<vmem>>, vector<64x1xf32>
    tpu.vector_store %arg15[%swap3A_335, %swap3A_336], %slice3A_334 {strides = array<i32>} : memref<64x73xf32, #tpu.memory_space<vmem>>, vector<64x1xf32>,
    %slice3A_338 = vector.extract_strided_slice %dot_general3A_325 {offsets = [0, 3], sizes = [64, 1], strides = [1, 1]} : vector<64x4xf32> to vector<64x1xf32>
    %swap3A_339 = arith.constant 0 : index
    %swap3A_340 = arith.constant 69 : index
    %swap3A_341 = vector.load %arg15[%swap3A_339, %swap3A_340] : memref<64x73xf32, #tpu.memory_space<vmem>>, vector<64x1xf32>
    tpu.vector_store %arg15[%swap3A_339, %swap3A_340], %slice3A_338 {strides = array<i32>} : memref<64x73xf32, #tpu.memory_space<vmem>>, vector<64x1xf32>,
    %slice3A_342 = vector.extract_strided_slice %get3A_19 {offsets = [0, 1024], sizes = [64, 64], strides = [1, 1]} : vector<64x1152xf32> to vector<64x64xf32>
    %slice3A_343 = vector.extract_strided_slice %get3A_22 {offsets = [0, 64], sizes = [64, 4], strides = [1, 1]} : vector<64x72xf32> to vector<64x4xf32>
    %dot_general3A_344 = arith.constant dense<0.000000e+00> : vector<64x4xf32>
    %dot_general3A_345 = tpu.matmul %slice3A_342, %slice3A_343, %dot_general3A_344 {dimension_numbers = #tpu.dot_dimension_numbers<[1], [0], [0], [1], [0, 0, 1, 1], [], []>, transpose_lhs_hint = false} : vector<64x64xf32>, vector<64x4xf32>, vector<64x4xf32> -> vector<64x4xf32>
    %slice3A_346 = vector.extract_strided_slice %dot_general3A_345 {offsets = [0, 0], sizes = [64, 1], strides = [1, 1]} : vector<64x4xf32> to vector<64x1xf32>
    %swap3A_347 = arith.constant 0 : index
    %swap3A_348 = arith.constant 16 : index
    %swap3A_349 = vector.load %arg15[%swap3A_347, %swap3A_348] : memref<64x73xf32, #tpu.memory_space<vmem>>, vector<64x1xf32>
    tpu.vector_store %arg15[%swap3A_347, %swap3A_348], %slice3A_346 {strides = array<i32>} : memref<64x73xf32, #tpu.memory_space<vmem>>, vector<64x1xf32>,
    %slice3A_350 = vector.extract_strided_slice %dot_general3A_345 {offsets = [0, 1], sizes = [64, 1], strides = [1, 1]} : vector<64x4xf32> to vector<64x1xf32>
    %swap3A_351 = arith.constant 0 : index
    %swap3A_352 = arith.constant 34 : index
    %swap3A_353 = vector.load %arg15[%swap3A_351, %swap3A_352] : memref<64x73xf32, #tpu.memory_space<vmem>>, vector<64x1xf32>
    tpu.vector_store %arg15[%swap3A_351, %swap3A_352], %slice3A_350 {strides = array<i32>} : memref<64x73xf32, #tpu.memory_space<vmem>>, vector<64x1xf32>,
    %slice3A_354 = vector.extract_strided_slice %dot_general3A_345 {offsets = [0, 2], sizes = [64, 1], strides = [1, 1]} : vector<64x4xf32> to vector<64x1xf32>
    %swap3A_355 = arith.constant 0 : index
    %swap3A_356 = arith.constant 52 : index
    %swap3A_357 = vector.load %arg15[%swap3A_355, %swap3A_356] : memref<64x73xf32, #tpu.memory_space<vmem>>, vector<64x1xf32>
    tpu.vector_store %arg15[%swap3A_355, %swap3A_356], %slice3A_354 {strides = array<i32>} : memref<64x73xf32, #tpu.memory_space<vmem>>, vector<64x1xf32>,
    %slice3A_358 = vector.extract_strided_slice %dot_general3A_345 {offsets = [0, 3], sizes = [64, 1], strides = [1, 1]} : vector<64x4xf32> to vector<64x1xf32>
    %swap3A_359 = arith.constant 0 : index
    %swap3A_360 = arith.constant 70 : index
    %swap3A_361 = vector.load %arg15[%swap3A_359, %swap3A_360] : memref<64x73xf32, #tpu.memory_space<vmem>>, vector<64x1xf32>
    tpu.vector_store %arg15[%swap3A_359, %swap3A_360], %slice3A_358 {strides = array<i32>} : memref<64x73xf32, #tpu.memory_space<vmem>>, vector<64x1xf32>,
    %slice3A_362 = vector.extract_strided_slice %get3A_19 {offsets = [0, 1088], sizes = [64, 64], strides = [1, 1]} : vector<64x1152xf32> to vector<64x64xf32>
    %slice3A_363 = vector.extract_strided_slice %get3A_22 {offsets = [0, 68], sizes = [64, 4], strides = [1, 1]} : vector<64x72xf32> to vector<64x4xf32>
    %dot_general3A_364 = arith.constant dense<0.000000e+00> : vector<64x4xf32>
    %dot_general3A_365 = tpu.matmul %slice3A_362, %slice3A_363, %dot_general3A_364 {dimension_numbers = #tpu.dot_dimension_numbers<[1], [0], [0], [1], [0, 0, 1, 1], [], []>, transpose_lhs_hint = false} : vector<64x64xf32>, vector<64x4xf32>, vector<64x4xf32> -> vector<64x4xf32>
    %slice3A_366 = vector.extract_strided_slice %dot_general3A_365 {offsets = [0, 0], sizes = [64, 1], strides = [1, 1]} : vector<64x4xf32> to vector<64x1xf32>
    %swap3A_367 = arith.constant 0 : index
    %swap3A_368 = arith.constant 17 : index
    %swap3A_369 = vector.load %arg15[%swap3A_367, %swap3A_368] : memref<64x73xf32, #tpu.memory_space<vmem>>, vector<64x1xf32>
    tpu.vector_store %arg15[%swap3A_367, %swap3A_368], %slice3A_366 {strides = array<i32>} : memref<64x73xf32, #tpu.memory_space<vmem>>, vector<64x1xf32>,
    %slice3A_370 = vector.extract_strided_slice %dot_general3A_365 {offsets = [0, 1], sizes = [64, 1], strides = [1, 1]} : vector<64x4xf32> to vector<64x1xf32>
    %swap3A_371 = arith.constant 0 : index
    %swap3A_372 = arith.constant 35 : index
    %swap3A_373 = vector.load %arg15[%swap3A_371, %swap3A_372] : memref<64x73xf32, #tpu.memory_space<vmem>>, vector<64x1xf32>
    tpu.vector_store %arg15[%swap3A_371, %swap3A_372], %slice3A_370 {strides = array<i32>} : memref<64x73xf32, #tpu.memory_space<vmem>>, vector<64x1xf32>,
    %slice3A_374 = vector.extract_strided_slice %dot_general3A_365 {offsets = [0, 2], sizes = [64, 1], strides = [1, 1]} : vector<64x4xf32> to vector<64x1xf32>
    %swap3A_375 = arith.constant 0 : index
    %swap3A_376 = arith.constant 53 : index
    %swap3A_377 = vector.load %arg15[%swap3A_375, %swap3A_376] : memref<64x73xf32, #tpu.memory_space<vmem>>, vector<64x1xf32>
    tpu.vector_store %arg15[%swap3A_375, %swap3A_376], %slice3A_374 {strides = array<i32>} : memref<64x73xf32, #tpu.memory_space<vmem>>, vector<64x1xf32>,
    %slice3A_378 = vector.extract_strided_slice %dot_general3A_365 {offsets = [0, 3], sizes = [64, 1], strides = [1, 1]} : vector<64x4xf32> to vector<64x1xf32>
    %swap3A_379 = arith.constant 0 : index
    %swap3A_380 = arith.constant 71 : index
    %swap3A_381 = vector.load %arg15[%swap3A_379, %swap3A_380] : memref<64x73xf32, #tpu.memory_space<vmem>>, vector<64x1xf32>
    tpu.vector_store %arg15[%swap3A_379, %swap3A_380], %slice3A_378 {strides = array<i32>} : memref<64x73xf32, #tpu.memory_space<vmem>>, vector<64x1xf32>,
    %get3A_382 = arith.constant 0 : index
    %get3A_383 = arith.constant 0 : index
    %get3A_384 = vector.load %arg6[%get3A_382, %get3A_383] : memref<64x1xf32, #tpu.memory_space<vmem>>, vector<64x1xf32>
    %swap3A_385 = arith.constant 0 : index
    %swap3A_386 = arith.constant 72 : index
    %swap3A_387 = vector.load %arg15[%swap3A_385, %swap3A_386] : memref<64x73xf32, #tpu.memory_space<vmem>>, vector<64x1xf32>
    tpu.vector_store %arg15[%swap3A_385, %swap3A_386], %get3A_384 {strides = array<i32>} : memref<64x73xf32, #tpu.memory_space<vmem>>, vector<64x1xf32>,
    %get3A_388 = arith.constant 0 : index
    %get3A_389 = arith.constant 0 : index
    %get3A_390 = vector.load %arg15[%get3A_388, %get3A_389] : memref<64x73xf32, #tpu.memory_space<vmem>>, vector<64x73xf32>
    %concatenate3A = tpu.concatenate %get3A_390, %get3A_390, %get3A_390, %get3A_390, %get3A_390, %get3A_390, %get3A_390, %get3A_390 in 0 : vector<64x73xf32>, vector<64x73xf32>, vector<64x73xf32>, vector<64x73xf32>, vector<64x73xf32>, vector<64x73xf32>, vector<64x73xf32>, vector<64x73xf32> -> vector<512x73xf32>
    %iota3A = tpu.iota {dimensions = array<i32: 1>} : vector<73x577xi32>
    %iota3A_391 = tpu.iota {dimensions = array<i32: 0>} : vector<73x577xi32>
    %lt3A = arith.constant 576 : i32
    %lt3A_392 = vector.broadcast %lt3A : i32 to vector<73x577xi32>
    %lt3A_393 = arith.cmpi slt, %iota3A, %lt3A_392 : vector<73x577xi32>
    %jit3A = arith.constant 144 : i32
    %div3A = vector.broadcast %jit3A : i32 to vector<73x577xi32>
    %div3A_394 = arith.divsi %iota3A, %div3A : vector<73x577xi32>
    %sign3A = arith.constant 0 : i32
    %sign3A_395 = vector.broadcast %sign3A : i32 to vector<73x577xi32>
    %sign3A_396 = arith.cmpi sgt, %iota3A, %sign3A_395 : vector<73x577xi32>
    %sign3A_397 = arith.extui %sign3A_396 : vector<73x577xi1> to vector<73x577xi32>
    %sign3A_398 = arith.constant 0 : i32
    %sign3A_399 = vector.broadcast %sign3A_398 : i32 to vector<73x577xi32>
    %sign3A_400 = arith.cmpi slt, %iota3A, %sign3A_399 : vector<73x577xi32>
    %sign3A_401 = arith.extui %sign3A_400 : vector<73x577xi1> to vector<73x577xi32>
    %sign3A_402 = arith.subi %sign3A_397, %sign3A_401 : vector<73x577xi32>
    %sign3A_403 = arith.constant 0 : i32
    %sign3A_404 = arith.cmpi sgt, %jit3A, %sign3A_403 : i32
    %sign3A_405 = arith.extui %sign3A_404 : i1 to i32
    %sign3A_406 = arith.constant 0 : i32
    %sign3A_407 = arith.cmpi slt, %jit3A, %sign3A_406 : i32
    %sign3A_408 = arith.extui %sign3A_407 : i1 to i32
    %sign3A_409 = arith.subi %sign3A_405, %sign3A_408 : i32
    %ne3A = vector.broadcast %sign3A_409 : i32 to vector<73x577xi32>
    %ne3A_410 = arith.cmpi ne, %sign3A_402, %ne3A : vector<73x577xi32>
    %rem3A = vector.broadcast %jit3A : i32 to vector<73x577xi32>
    %rem3A_411 = arith.remsi %iota3A, %rem3A : vector<73x577xi32>
    %ne3A_412 = arith.constant 0 : i32
    %ne3A_413 = vector.broadcast %ne3A_412 : i32 to vector<73x577xi32>
    %ne3A_414 = arith.cmpi ne, %rem3A_411, %ne3A_413 : vector<73x577xi32>
    %and3A = arith.andi %ne3A_410, %ne3A_414 : vector<73x577xi1>
    %sub3A = arith.constant 1 : i32
    %sub3A_415 = vector.broadcast %sub3A : i32 to vector<73x577xi32>
    %sub3A_416 = arith.subi %div3A_394, %sub3A_415 : vector<73x577xi32>
    %select_n3A = arith.select %and3A, %sub3A_416, %div3A_394 : vector<73x577xi1>, vector<73x577xi32>
    %mul3A = arith.constant 18 : i32
    %mul3A_417 = vector.broadcast %mul3A : i32 to vector<73x577xi32>
    %mul3A_418 = arith.muli %select_n3A, %mul3A_417 : vector<73x577xi32>
    %jit3A_419 = arith.constant 144 : i32
    %eq3A = arith.constant 0 : i32
    %eq3A_420 = arith.cmpi eq, %jit3A_419, %eq3A : i32
    %jit3A_421 = arith.constant 1 : i32
    %select_n3A_422 = arith.select %eq3A_420, %jit3A_421, %jit3A_419 : i32
    %rem3A_423 = vector.broadcast %select_n3A_422 : i32 to vector<73x577xi32>
    %rem3A_424 = arith.remsi %iota3A, %rem3A_423 : vector<73x577xi32>
    %ne3A_425 = arith.constant 0 : i32
    %ne3A_426 = vector.broadcast %ne3A_425 : i32 to vector<73x577xi32>
    %ne3A_427 = arith.cmpi ne, %rem3A_424, %ne3A_426 : vector<73x577xi32>
    %lt3A_428 = arith.constant 0 : i32
    %lt3A_429 = vector.broadcast %lt3A_428 : i32 to vector<73x577xi32>
    %lt3A_430 = arith.cmpi slt, %rem3A_424, %lt3A_429 : vector<73x577xi32>
    %lt3A_431 = arith.constant 0 : i32
    %lt3A_432 = arith.cmpi slt, %select_n3A_422, %lt3A_431 : i32
    %ne3A_433 = vector.broadcast %lt3A_432 : i1 to vector<73x577xi1>
    %ne3A_434 = vector.broadcast %ne3A_433 : vector<73x577xi1> to vector<73x577xi1>
    %ne3A_435 = arith.xori %lt3A_430, %ne3A_434 : vector<73x577xi1>
    %and3A_436 = arith.andi %ne3A_435, %ne3A_427 : vector<73x577xi1>
    %add3A_437 = vector.broadcast %select_n3A_422 : i32 to vector<73x577xi32>
    %add3A_438 = arith.addi %rem3A_424, %add3A_437 : vector<73x577xi32>
    %select_n3A_439 = arith.select %and3A_436, %add3A_438, %rem3A_424 : vector<73x577xi1>, vector<73x577xi32>
    %jit3A_440 = arith.constant 8 : i32
    %div3A_441 = vector.broadcast %jit3A_440 : i32 to vector<73x577xi32>
    %div3A_442 = arith.divsi %select_n3A_439, %div3A_441 : vector<73x577xi32>
    %sign3A_443 = arith.constant 0 : i32
    %sign3A_444 = vector.broadcast %sign3A_443 : i32 to vector<73x577xi32>
    %sign3A_445 = arith.cmpi sgt, %select_n3A_439, %sign3A_444 : vector<73x577xi32>
    %sign3A_446 = arith.extui %sign3A_445 : vector<73x577xi1> to vector<73x577xi32>
    %sign3A_447 = arith.constant 0 : i32
    %sign3A_448 = vector.broadcast %sign3A_447 : i32 to vector<73x577xi32>
    %sign3A_449 = arith.cmpi slt, %select_n3A_439, %sign3A_448 : vector<73x577xi32>
    %sign3A_450 = arith.extui %sign3A_449 : vector<73x577xi1> to vector<73x577xi32>
    %sign3A_451 = arith.subi %sign3A_446, %sign3A_450 : vector<73x577xi32>
    %sign3A_452 = arith.constant 0 : i32
    %sign3A_453 = arith.cmpi sgt, %jit3A_440, %sign3A_452 : i32
    %sign3A_454 = arith.extui %sign3A_453 : i1 to i32
    %sign3A_455 = arith.constant 0 : i32
    %sign3A_456 = arith.cmpi slt, %jit3A_440, %sign3A_455 : i32
    %sign3A_457 = arith.extui %sign3A_456 : i1 to i32
    %sign3A_458 = arith.subi %sign3A_454, %sign3A_457 : i32
    %ne3A_459 = vector.broadcast %sign3A_458 : i32 to vector<73x577xi32>
    %ne3A_460 = arith.cmpi ne, %sign3A_451, %ne3A_459 : vector<73x577xi32>
    %rem3A_461 = vector.broadcast %jit3A_440 : i32 to vector<73x577xi32>
    %rem3A_462 = arith.remsi %select_n3A_439, %rem3A_461 : vector<73x577xi32>
    %ne3A_463 = arith.constant 0 : i32
    %ne3A_464 = vector.broadcast %ne3A_463 : i32 to vector<73x577xi32>
    %ne3A_465 = arith.cmpi ne, %rem3A_462, %ne3A_464 : vector<73x577xi32>
    %and3A_466 = arith.andi %ne3A_460, %ne3A_465 : vector<73x577xi1>
    %sub3A_467 = arith.constant 1 : i32
    %sub3A_468 = vector.broadcast %sub3A_467 : i32 to vector<73x577xi32>
    %sub3A_469 = arith.subi %div3A_442, %sub3A_468 : vector<73x577xi32>
    %select_n3A_470 = arith.select %and3A_466, %sub3A_469, %div3A_442 : vector<73x577xi1>, vector<73x577xi32>
    %add3A_471 = arith.addi %mul3A_418, %select_n3A_470 : vector<73x577xi32>
    %jit3A_472 = arith.constant 72 : i32
    %broadcast_in_dim3A = vector.broadcast %jit3A_472 : i32 to vector<73x577xi32>
    %select_n3A_473 = arith.select %lt3A_393, %add3A_471, %broadcast_in_dim3A : vector<73x577xi1>, vector<73x577xi32>
    %eq3A_474 = arith.cmpi eq, %iota3A_391, %select_n3A_473 : vector<73x577xi32>
    %convert_element_type3A = arith.extui %eq3A_474 : vector<73x577xi1> to vector<73x577xi32>
    %convert_element_type3A_475 = arith.sitofp %convert_element_type3A : vector<73x577xi32> to vector<73x577xf32>
    %iota3A_476 = tpu.iota {dimensions = array<i32: 0>} : vector<512x577xi32>
    %iota3A_477 = tpu.iota {dimensions = array<i32: 1>} : vector<512x577xi32>
    %jit3A_478 = arith.constant 64 : i32
    %div3A_479 = vector.broadcast %jit3A_478 : i32 to vector<512x577xi32>
    %div3A_480 = arith.divsi %iota3A_476, %div3A_479 : vector<512x577xi32>
    %sign3A_481 = arith.constant 0 : i32
    %sign3A_482 = vector.broadcast %sign3A_481 : i32 to vector<512x577xi32>
    %sign3A_483 = arith.cmpi sgt, %iota3A_476, %sign3A_482 : vector<512x577xi32>
    %sign3A_484 = arith.extui %sign3A_483 : vector<512x577xi1> to vector<512x577xi32>
    %sign3A_485 = arith.constant 0 : i32
    %sign3A_486 = vector.broadcast %sign3A_485 : i32 to vector<512x577xi32>
    %sign3A_487 = arith.cmpi slt, %iota3A_476, %sign3A_486 : vector<512x577xi32>
    %sign3A_488 = arith.extui %sign3A_487 : vector<512x577xi1> to vector<512x577xi32>
    %sign3A_489 = arith.subi %sign3A_484, %sign3A_488 : vector<512x577xi32>
    %sign3A_490 = arith.constant 0 : i32
    %sign3A_491 = arith.cmpi sgt, %jit3A_478, %sign3A_490 : i32
    %sign3A_492 = arith.extui %sign3A_491 : i1 to i32
    %sign3A_493 = arith.constant 0 : i32
    %sign3A_494 = arith.cmpi slt, %jit3A_478, %sign3A_493 : i32
    %sign3A_495 = arith.extui %sign3A_494 : i1 to i32
    %sign3A_496 = arith.subi %sign3A_492, %sign3A_495 : i32
    %ne3A_497 = vector.broadcast %sign3A_496 : i32 to vector<512x577xi32>
    %ne3A_498 = arith.cmpi ne, %sign3A_489, %ne3A_497 : vector<512x577xi32>
    %rem3A_499 = vector.broadcast %jit3A_478 : i32 to vector<512x577xi32>
    %rem3A_500 = arith.remsi %iota3A_476, %rem3A_499 : vector<512x577xi32>
    %ne3A_501 = arith.constant 0 : i32
    %ne3A_502 = vector.broadcast %ne3A_501 : i32 to vector<512x577xi32>
    %ne3A_503 = arith.cmpi ne, %rem3A_500, %ne3A_502 : vector<512x577xi32>
    %and3A_504 = arith.andi %ne3A_498, %ne3A_503 : vector<512x577xi1>
    %sub3A_505 = arith.constant 1 : i32
    %sub3A_506 = vector.broadcast %sub3A_505 : i32 to vector<512x577xi32>
    %sub3A_507 = arith.subi %div3A_480, %sub3A_506 : vector<512x577xi32>
    %select_n3A_508 = arith.select %and3A_504, %sub3A_507, %div3A_480 : vector<512x577xi1>, vector<512x577xi32>
    %jit3A_509 = arith.constant 8 : i32
    %eq3A_510 = arith.constant 0 : i32
    %eq3A_511 = arith.cmpi eq, %jit3A_509, %eq3A_510 : i32
    %jit3A_512 = arith.constant 1 : i32
    %select_n3A_513 = arith.select %eq3A_511, %jit3A_512, %jit3A_509 : i32
    %rem3A_514 = vector.broadcast %select_n3A_513 : i32 to vector<512x577xi32>
    %rem3A_515 = arith.remsi %iota3A_477, %rem3A_514 : vector<512x577xi32>
    %ne3A_516 = arith.constant 0 : i32
    %ne3A_517 = vector.broadcast %ne3A_516 : i32 to vector<512x577xi32>
    %ne3A_518 = arith.cmpi ne, %rem3A_515, %ne3A_517 : vector<512x577xi32>
    %lt3A_519 = arith.constant 0 : i32
    %lt3A_520 = vector.broadcast %lt3A_519 : i32 to vector<512x577xi32>
    %lt3A_521 = arith.cmpi slt, %rem3A_515, %lt3A_520 : vector<512x577xi32>
    %lt3A_522 = arith.constant 0 : i32
    %lt3A_523 = arith.cmpi slt, %select_n3A_513, %lt3A_522 : i32
    %ne3A_524 = vector.broadcast %lt3A_523 : i1 to vector<512x577xi1>
    %ne3A_525 = vector.broadcast %ne3A_524 : vector<512x577xi1> to vector<512x577xi1>
    %ne3A_526 = arith.xori %lt3A_521, %ne3A_525 : vector<512x577xi1>
    %and3A_527 = arith.andi %ne3A_526, %ne3A_518 : vector<512x577xi1>
    %add3A_528 = vector.broadcast %select_n3A_513 : i32 to vector<512x577xi32>
    %add3A_529 = arith.addi %rem3A_515, %add3A_528 : vector<512x577xi32>
    %select_n3A_530 = arith.select %and3A_527, %add3A_529, %rem3A_515 : vector<512x577xi1>, vector<512x577xi32>
    %eq3A_531 = arith.cmpi eq, %select_n3A_508, %select_n3A_530 : vector<512x577xi32>
    %eq3A_532 = arith.constant 576 : i32
    %eq3A_533 = vector.broadcast %eq3A_532 : i32 to vector<512x577xi32>
    %eq3A_534 = arith.cmpi eq, %iota3A_477, %eq3A_533 : vector<512x577xi32>
    %or3A = arith.ori %eq3A_531, %eq3A_534 : vector<512x577xi1>
    %dot_general3A_535 = arith.constant dense<0.000000e+00> : vector<512x577xf32>
    %dot_general3A_536 = tpu.matmul %concatenate3A, %convert_element_type3A_475, %dot_general3A_535 {dimension_numbers = #tpu.dot_dimension_numbers<[1], [0], [0], [1], [0, 0, 1, 1], [], []>, transpose_lhs_hint = false} : vector<512x73xf32>, vector<73x577xf32>, vector<512x577xf32> -> vector<512x577xf32>
    %convert_element_type3A_537 = arith.extui %or3A : vector<512x577xi1> to vector<512x577xi32>
    %convert_element_type3A_538 = arith.sitofp %convert_element_type3A_537 : vector<512x577xi32> to vector<512x577xf32>
    %mul3A_539 = arith.mulf %dot_general3A_536, %convert_element_type3A_538 : vector<512x577xf32>
    %swap3A_540 = arith.constant 0 : index
    %swap3A_541 = arith.constant 0 : index
    %swap3A_542 = vector.load %arg12[%swap3A_540, %swap3A_541] : memref<512x577xf32, #tpu.memory_space<vmem>>, vector<512x577xf32>
    tpu.vector_store %arg12[%swap3A_540, %swap3A_541], %mul3A_539 {strides = array<i32>} : memref<512x577xf32, #tpu.memory_space<vmem>>, vector<512x577xf32>,
    %get3A_543 = arith.constant 0 : index
    %get3A_544 = arith.constant 0 : index
    %get3A_545 = vector.load %arg7[%get3A_543, %get3A_544] : memref<1x64xf32, #tpu.memory_space<vmem>>, vector<1x64xf32>
    %transpose3A = tpu.transpose %get3A_545, [1, 0] : vector<1x64xf32> -> vector<64x1xf32>
    %get3A_546 = arith.constant 0 : index
    %get3A_547 = arith.constant 0 : index
    %get3A_548 = vector.load %arg8[%get3A_546, %get3A_547] : memref<1x64xf32, #tpu.memory_space<vmem>>, vector<1x64xf32>
    %transpose3A_549 = tpu.transpose %get3A_548, [1, 0] : vector<1x64xf32> -> vector<64x1xf32>
    %get3A_550 = arith.constant 0 : index
    %get3A_551 = arith.constant 0 : index
    %get3A_552 = vector.load %arg9[%get3A_550, %get3A_551] : memref<1x64xf32, #tpu.memory_space<vmem>>, vector<1x64xf32>
    %transpose3A_553 = tpu.transpose %get3A_552, [1, 0] : vector<1x64xf32> -> vector<64x1xf32>
    %concatenate3A_554 = tpu.concatenate %transpose3A, %transpose3A_549, %transpose3A_553 in 1 : vector<64x1xf32>, vector<64x1xf32>, vector<64x1xf32> -> vector<64x3xf32>
    %swap3A_555 = arith.constant 0 : index
    %swap3A_556 = arith.constant 0 : index
    %swap3A_557 = vector.load %arg13[%swap3A_555, %swap3A_556] : memref<64x3xf32, #tpu.memory_space<vmem>>, vector<64x3xf32>
    tpu.vector_store %arg13[%swap3A_555, %swap3A_556], %concatenate3A_554 {strides = array<i32>} : memref<64x3xf32, #tpu.memory_space<vmem>>, vector<64x3xf32>,
    %get3A_558 = arith.constant 0 : index
    %get3A_559 = arith.constant 0 : index
    %get3A_560 = vector.load %arg10[%get3A_558, %get3A_559] : memref<8x64xf32, #tpu.memory_space<vmem>>, vector<8x64xf32>
    %reshape3A = vector.shape_cast %get3A_560 : vector<8x64xf32> to vector<8x64x1xf32>
    %swap3A_561 = arith.constant 0 : index
    %swap3A_562 = arith.constant 0 : index
    %swap3A_563 = arith.constant 0 : index
    %swap3A_564 = vector.load %arg14[%swap3A_561, %swap3A_562, %swap3A_563] : memref<8x64x1xf32, #tpu.memory_space<vmem>>, vector<8x64x1xf32>
    tpu.vector_store %arg14[%swap3A_561, %swap3A_562, %swap3A_563], %reshape3A {strides = array<i32>} : memref<8x64x1xf32, #tpu.memory_space<vmem>>, vector<8x64x1xf32>,
    return
  }
}

</mosaic_0001>

<sc_bundles>
// kernel: kernel.5.cloned.1.call-start
scs
__scs_entry_jumppad:
0x0: {  	(pc) =	sbr.rel $0x88, $3  }
0x1: {  	(tag) =	ssettag $0x0;
	lr =	simm.s32 $0x1  }
0x2: {  	[smem:$0x3F93] =	sst lr;
	_ =	strace $0xD0000000  }
0x3: {  	_ = 	snop  }
0x4: {  	_ = 	snop  }
0x5: {  	_ = 	snop  }
0x6: {  	_ = 	snop  }
0x7: {  	_ = 	snop  }
__scs_overlays_trampoline_lowered:
0x8: {  	[smem:$0x3FA2] =	sst s0  }
0x9: {  	[smem:$0x3FA3] =	sst s1  }
0xa: {  	[smem:$0x3FA4] =	sst s2  }
0xb: {  	[smem:$0x3FA5] =	sst s3  }
0xc: {  	[smem:$0x3FA6] =	sst s4  }
0xd: {  	[smem:$0x3FA7] =	sst s5  }
0xe: {  	[smem:$0x3FA8] =	sst s6  }
0xf: {  	[smem:$0x3FA9] =	sst s7  }
0x10: {  	[smem:$0x3FAA] =	sst s8  }
0x11: {  	[smem:$0x3FAB] =	sst s9;
	s0 =	simm.s32 @!p0 $0x0  }
0x12: {  	s1 =	sld [smem:$0x3F91];
	s0 =	simm.s32 @p0 $0x1  }
0x13: {  	[smem:$0x3FAC] =	sst s0;
	s0 =	simm.s32 @!p1 $0x0  }
0x14: {  	s2 =	sld [smem:$0x3F90];
	s0 =	simm.s32 @p1 $0x1  }
0x15: {  	[smem:$0x3FAD] =	sst s0;
	s0 =	simm.s32 @!p2 $0x0  }
0x16: {  	s3 =	sld [smem:$0x3FDB];
	s0 =	simm.s32 @p2 $0x1  }
0x17: {  	s4 =	simm.s32 $0x1BF5;
	[smem:$0x3FAF] =	sst s0  }
0x18: {  	s0 =	sld [smem:$0x3F92];
	_ =	swait.ge [sflag:s4], $0x0  }
0x19: {  	s7 =	sld [smem:$0x3F93]  }
0x1a: {  	s8 =	sadd.s32 $0xFFFFE003, lr  }
0x1b: {  	s9 =	sadd.s32 $0xFFFFFEF7, lr;
	s5 =	simm.s32 $0xFFFFFFFF;
	p2 =	slt.u32 s8, $0xFFFFF086  }
0x1c: {  	p1 =	slt.u32 s9, $0xF7A;
	s5 =	simm.s32 @!p2 $0x0  }
0x1d: {  	s5 =	simm.s32 @p1 $0x1;
	p0 =	seq.s32 s7, s2  }
0x1e: {  	s7 =	smul.u32 @!p0 $0xF7A, s2;
	p2 =	seq.s32 @!p0 s5, $0x0  }
0x1f: {  	s9 =	smul.u32 $0xF7A, s1;
	s8 =	simm.s32 @!p0 $0x1BF5;
	p2 =	por !p2, p0  }
0x20: {  	[sflag:s8] =	ssyncset.s32 @!p0 $0xFFFFF086;
	s6 =	sadd.s32 @!p0 s3, s7;
	s7 =	simm.s32 @!p0 $0x108  }
0x21: {  	s3 =	sadd.s32 s3, s9;
	s6 =	sadd.s32 @!p0 $0x88, s6;
	s7 =	simm.s32 @p2 $0x1082  }
0x22: {  	[simem:s7], [sflag:s8] =	dma.local @!p0 [hbm:s6], $0xF7A  }
0x23: {  	s9 =	sor.u32 $0xD0000000, s2;
	s6 =	simm.s32 $0x108;
	_ =	swait.ge @!p0 [sflag:s8], $0x0  }
0x24: {  	s3 =	sadd.s32 $0x88, s3;
	s6 =	simm.s32 @!p1 $0x1082;
	[sflag:s4] =	ssyncset.s32 $0xFFFFF086  }
0x25: {  	[simem:s6], [sflag:s4] =	dma.local [hbm:s3], $0xF7A  }
0x26: {  	[smem:$0x3F93] =	sst s1;
	(tag) =	ssettag s2;
	_ =	strace s9  }
0x27: {  	s1 =	sld [smem:$0x3FA3]  }
0x28: {  	s2 =	sld [smem:$0x3FA4]  }
0x29: {  	s4 =	sld [smem:$0x3FA6]  }
0x2a: {  	p0 =	seq.s32 s5, $0x0;
	s5 =	sld [smem:$0x3FA7]  }
0x2b: {  	s6 =	sld [smem:$0x3FA8]  }
0x2c: {  	s7 =	sld [smem:$0x3FA9]  }
0x2d: {  	s3 =	simm.s32 $0x108;
	s8 =	sld [smem:$0x3FAA]  }
0x2e: {  	s3 =	simm.s32 @!p0 $0x1082;
	s9 =	sld [smem:$0x3FAB]  }
0x2f: {  	lr =	sadd.s32 s0, s3;
	s0 =	sld [smem:$0x3FA2]  }
0x30: {  	s3 =	sld [smem:$0x3FA5]  }
0x31: {  	[smem:$0x3FAE] =	sst s10  }
0x32: {  	s10 =	sld [smem:$0x3FAC];
	_ =	sdelay $0x3  }
0x33: {  	p0 =	seq.s32 s10, $0x1;
	s10 =	sld [smem:$0x3FAE];
	_ =	sdelay $0x3  }
0x34: {  	[smem:$0x3FAE] =	sst s10  }
0x35: {  	s10 =	sld [smem:$0x3FAD];
	_ =	sdelay $0x3  }
0x36: {  	p1 =	seq.s32 s10, $0x1;
	s10 =	sld [smem:$0x3FAE];
	_ =	sdelay $0x3  }
0x37: {  	[smem:$0x3FAE] =	sst s10  }
0x38: {  	s10 =	sld [smem:$0x3FAF]  }
0x39: {  	_ = 	snop;
	(pc) =	sbr.ind lr, $3  }
0x3a: {  	_ = 	snop  }
0x3b: {  	_ = 	snop  }
0x3c: {  	p2 =	seq.s32 s10, $0x1;
	s10 =	sld [smem:$0x3FAE]  }
0x3d: {  	_ =	shalt  }
0x3e: {  	_ =	shalt  }
0x3f: {  	_ =	shalt  }
0x40: {  	_ =	shalt  }
0x41: {  	_ =	shalt  }
0x42: {  	_ =	shalt  }
0x43: {  	_ =	shalt  }
0x44: {  	_ =	shalt  }
0x45: {  	_ =	shalt  }
0x46: {  	_ =	shalt  }
0x47: {  	_ =	shalt  }
0x48: {  	_ =	shalt  }
0x49: {  	_ =	shalt  }
0x4a: {  	_ =	shalt  }
0x4b: {  	_ =	shalt  }
0x4c: {  	_ =	shalt  }
0x4d: {  	_ =	shalt  }
0x4e: {  	_ =	shalt  }
0x4f: {  	_ =	shalt  }
0x50: {  	_ =	shalt  }
0x51: {  	_ =	shalt  }
0x52: {  	_ =	shalt  }
0x53: {  	_ =	shalt  }
0x54: {  	_ =	shalt  }
0x55: {  	_ =	shalt  }
0x56: {  	_ =	shalt  }
0x57: {  	_ =	shalt  }
0x58: {  	_ =	shalt  }
0x59: {  	_ =	shalt  }
0x5a: {  	_ =	shalt  }
0x5b: {  	_ =	shalt  }
0x5c: {  	_ =	shalt  }
0x5d: {  	_ =	shalt  }
0x5e: {  	_ =	shalt  }
0x5f: {  	_ =	shalt  }
0x60: {  	_ =	shalt  }
0x61: {  	_ =	shalt  }
0x62: {  	_ =	shalt  }
0x63: {  	_ =	shalt  }
0x64: {  	_ =	shalt  }
0x65: {  	_ =	shalt  }
0x66: {  	_ =	shalt  }
0x67: {  	_ =	shalt  }
0x68: {  	_ =	shalt  }
0x69: {  	_ =	shalt  }
0x6a: {  	_ =	shalt  }
0x6b: {  	_ =	shalt  }
0x6c: {  	_ =	shalt  }
0x6d: {  	_ =	shalt  }
0x6e: {  	_ =	shalt  }
0x6f: {  	_ =	shalt  }
0x70: {  	_ =	shalt  }
0x71: {  	_ =	shalt  }
0x72: {  	_ =	shalt  }
0x73: {  	_ =	shalt  }
0x74: {  	_ =	shalt  }
0x75: {  	_ =	shalt  }
0x76: {  	_ =	shalt  }
0x77: {  	_ =	shalt  }
0x78: {  	_ =	shalt  }
0x79: {  	_ =	shalt  }
0x7a: {  	_ =	shalt  }
0x7b: {  	_ =	shalt  }
0x7c: {  	_ =	shalt  }
0x7d: {  	_ =	shalt  }
0x7e: {  	_ =	shalt  }
0x7f: {  	_ =	shalt  }
0x80: {  	_ =	shalt  }
0x81: {  	_ =	shalt  }
0x82: {  	_ =	shalt  }
0x83: {  	_ =	shalt  }
0x84: {  	_ =	shalt  }
0x85: {  	_ =	shalt  }
0x86: {  	_ =	shalt  }
0x87: {  	_ =	shalt  }
.Lfunc_end0:
.L_simem_size_0:
called_computation_lowered:
.L_overlay_start_0:
0x88: {  	s2 =	sld [smem:$0x3FD9]  }
0x89: {  	s3 =	sld [smem:$0x3FFE];
	_ =	sdelay $0x1  }
0x8a: {  	s1 =	srdreg.scid  }
0x8b: {  	s0 =	sand.u32 $0x1, s1  }
0x8c: {  	s14 =	sshll.u32 s0, $0xA;
	s2 =	sadd.s32 s3, s2  }
0x8d: {  	s2 =	sadd.s32 s2, s14  }
0x8e: {  	[smem:$0x3FBA] =	sst s2  }
0x8f: {  	_ = 	snop  }
0x90: {  	s2 =	sld [smem:$0x3FD0];
	_ =	sdelay $0x2  }
0x91: {  	s4 =	simm.s32 $0xA;
	s5 =	simm.s32 $0x10;
	s15 =	sld [smem:$0x3FC9]  }
0x92: {  	[smem:s5], [sflag:s4] =	dma.local [hbm:s2], $0x1  }
0x93: {  	_ =	swait.eq [sflag:s4], $0x1  }
0x94: {  	[sflag:s4] =	ssyncset.done $0x0  }
0x95: {  	[sflag:s4] =	ssyncadd.s32 $0xFFFFFFFF  }
0x96: {  	s16 =	sld [smem:$0x10];
	(tm) =	ssettm $0x1  }
0x97: {  	s17 =	sld [smem:$0x3FFB];
	_ =	sdelay $0x3  }
0x98: {  	_ =	strace s17  }
0x99: {  	s4 =	sld [smem:$0x3FFC];
	_ =	sdelay $0x3  }
0x9a: {  	_ =	strace s4  }
0x9b: {  	s4 =	sld [smem:$0x3FFD];
	_ =	sdelay $0x3  }
0x9c: {  	_ =	strace s4  }
0x9d: {  	_ =	strace $0x8FFFFFFF  }
0x9e: {  	s18 =	sld [smem:$0x3FDB];
	_ =	sdelay $0x1  }
0x9f: {  	s19 =	simm.s32 $_scs_section_size  }
0xa0: {  	s6 =	simm.s32 $_size__tile_overlayer_lowered;
	s7 =	simm.s32 $_tile_overlayer_lowered  }
0xa1: {  	s22 =	simm.s32 $0x1BFF;
	s21 =	sshll.u32 s7, $0x1;
	s4 =	sadd.s32 s19, s18  }
0xa2: {  	s8 =	simm.s32 $0x0;
	s20 =	sshll.u32 s6, $0x1;
	s6 =	sadd.s32 s21, s4  }
0xa3: {  	[timem:s8], [sflag:s22] =	dma.local [hbm:s6], s20  }
0xa4: {  	_ =	swait.ge [sflag:s22], s20  }
0xa5: {  	s5 =	ssub.s32 $0x0, s20;
	[sflag:s22] =	ssyncset.done $0x0  }
0xa6: {  	[sflag:s22] =	ssyncadd.s32 s5;
	_ =	sdelay $0x1  }
0xa7: {  	s23 =	simm.s32 $0x1B8B  }
0xa8: {  	_ =	swait.ge [sflag:s23], $0x1  }
0xa9: {  	[sflag:s23] =	ssyncset.done $0x0  }
0xaa: {  	s25 =	simm.s32 $0x1B8E;
	s24 =	sld [smem:$0x3FFE];
	[sflag:s23] =	ssyncadd.s32 $0xFFFFFFFF  }
0xab: {  	s26 =	simm.s32 $execute0_lowered;
	[smem:$0x3FD2] =	sst s25  }
0xac: {  	s6 =	sshll.u32 s26, $0x1;
	_ =	strace $0x80000046;
	[dreg:$0x1] =	wrdreg $0xFFFFFFFF  }
0xad: {  	s28 =	simm.s32 $_size_execute0_lowered;
	s4 =	sadd.s32 s4, s6;
	[dreg:$0x0] =	wrdreg $0x0  }
0xae: {  	s6 =	sshll.u32 s28, $0x1;
	[dreg:$0x2] =	wrdreg s4  }
0xaf: {  	[dreg:$0x3] =	wrdreg s6  }
0xb0: {  	[dreg:$0x4] =	wrdreg $0xC0  }
0xb1: {  	_ =	task [dreg:s8], $0x5FFFF  }
0xb2: {  	[dreg:$0x1] =	wrdreg $0xFFFFFFFF  }
0xb3: {  	[dreg:$0x0] =	wrdreg $0x60  }
0xb4: {  	[dreg:$0x2] =	wrdreg s15  }
0xb5: {  	[dreg:$0x3] =	wrdreg s24  }
0xb6: {  	[dreg:$0x4] =	wrdreg s16  }
0xb7: {  	[dreg:$0x5] =	wrdreg $0x9  }
0xb8: {  	_ =	task.clear_ibuf [dreg:s8], $0x6FFFF;
	_ =	strace $0x90000046  }
0xb9: {  	s29 =	simm.s32 $0x9;
	_ =	strace $0x80000048  }
0xba: {  	_ =	swait.ge [sflag:s29], $0x1  }
0xbb: {  	[sflag:s29] =	ssyncadd.s32 $0xFFFFFFFF  }
0xbc: {  	_ =	strace $0x90000048  }
0xbd: {  	_ =	sfence  }
0xbe: {  	s30 =	sld [smem:$0x0];
	_ =	sdelay $0x2  }
0xbf: {  	s31 =	sshll.u32 s1, $0xD;
	s1 =	sshrl.u32 s1, $0x2  }
0xc0: {  	s3 =	sand.u32 $0x4000, s31;
	s1 =	sadd.s32 s1, s30  }
0xc1: {  	s0 =	sor.u32 s3, s0;
	s1 =	sshll.u32 s1, $0x11  }
0xc2: {  	s0 =	sor.u32 s1, s0  }
0xc3: {  	s0 =	sadd.s32 $0x8F2B, s0  }
0xc4: {  	[sflag:s0] =	ssyncadd.remote.s32 $0x1  }
0xc5: {  	_ =	sfence.sel $0xFFFF  }
0xc6: {  	[dreg:$0x0] =	wrdreg $0xFFFFFFFF;
	(pc) =	sbr.abs _section_cstart, $3  }
0xc7: {  	[dreg:$0x1] =	wrdreg $0xFFFFFFFF  }
0xc8: {  	_ =	task.clear_ibuf [dreg:s8], $0x2FFFF;
	_ =	strace $0x9FFFFFFF  }
0xc9: {  	(tm) =	ssettm $0x7FFFFFFF  }
tec
execute0_lowered:
.L_overlay_start_1:
0x0: {  	(tag) =	ssettag $0x1  }
0x1: {  	v0 =	vlaneseq.u32  }
0x2: {  	s4 =	rddreg [dreg:$0x0];
	v0 =	vmul.u32 $0x80, v0  }
0x3: {  	s3 =	rddreg [dreg:$0x1]  }
0x4: {  	s5 =	rddreg [dreg:$0x2];
	s2 =	srdreg.scid;
	v1 =	vor.u32 $0x800, v0  }
0x5: {  	s0 =	rddreg [dreg:$0x3];
	s1 =	stileid.u32;
	s10 =	simm.s32 $0x4200;
	v2 =	vor.u32 $0x1000, v0;
	v3 =	vor.u32 $0x1800, v0;
	v4 =	vor.u32 $0x2000, v0  }
0x6: {  	s11 =	simm.s32 $0x100;
	s12 =	simm.s32 $0x8200;
	s13 =	simm.s32 $0x180;
	v5 =	vor.u32 $0x2800, v0;
	v6 =	vor.u32 $0x3000, v0;
	v7 =	vor.u32 $0x3800, v0  }
0x7: {  	s14 =	simm.s32 $0xC200;
	s15 =	simm.s32 $0x1;
	s16 =	simm.s32 $0x1000;
	v8 =	vor.u32 $0x4000, v0;
	v9 =	vor.u32 $0x4800, v0;
	v10 =	vor.u32 $0x5000, v0  }
0x8: {  	s17 =	simm.s32 $0x20000;
	s18 =	simm.s32 $0x10200;
	s19 =	simm.s32 $0x0;
	v11 =	vor.u32 $0x5800, v0;
	v12 =	vor.u32 $0x6000, v0;
	v13 =	vor.u32 $0x6800, v0  }
0x9: {  	s6 =	sand.u32 $0x1, s2;
	s2 =	simm.s32 $0x0;
	s7 =	sshll.u32 s1, $0xA;
	v14 =	vor.u32 $0x7000, v0;
	v15 =	vor.u32 $0x7800, v0;
	v16 =	vor.u32 $0x8000, v0  }
0xa: {  	s3 =	sadd.s32 $0x2A00, s3;
	s8 =	sshll.u32 s6, $0x9;
	[smem:$0x7FF] =	sst s2;
	v17 =	vor.u32 $0x8800, v0;
	v18 =	vor.u32 $0x9000, v0;
	v19 =	vor.u32 $0x9800, v0  }
0xb: {  	s6 =	ssub.s32 $0x2, s6;
	s7 =	sor.u32 s8, s7;
	_ =	strace $0x80000047;
	v20 =	vor.u32 $0xA000, v0;
	v21 =	vor.u32 $0xA800, v0;
	v22 =	vor.u32 $0xB000, v0  }
0xc: {  	s31 =	sshrl.u32 s6, $0x1;
	s8 =	simm.s32 $0x80;
	v23 =	vor.u32 $0xB800, v0;
	v24 =	vor.u32 $0xC000, v0;
	v25 =	vor.u32 $0xC800, v0;
	s9 =	sshrl.u32 s7, $0x3  }
0xd: {  	v26 =	vor.u32 $0xD000, v0;
	v27 =	vor.u32 $0xD800, v0;
	v28 =	vor.u32 $0xE000, v0;
	s6 =	ssub.s32 s6, s31;
	s5 =	sadd.s32 s5, s7;
	s7 =	simm.s32 $0x2  }
0xe: {  	v29 =	vor.u32 $0xE800, v0;
	v30 =	vor.u32 $0xF000, v0;
	v31 =	vor.u32 $0xF800, v0;
	s4 =	sadd.s32 s4, s9;
	s6 =	smax.u32 s6, $0x1;
	s9 =	simm.s32 $0x200  }
.LBB2_1:
0xf: {  	[tilespmem:s2], [sflag:$0x2] =	stream.linear.gather [hbm4b:s4+s2], $0x200, $0x38;
	[tilespmem:$0x18200] =	vst v63  }
0x10: {  	_ =	swait.ge [sflag:s7], $0x200  }
0x11: {  	[sflag:s7] =	ssyncset.done $0x0  }
0x12: {  	[sflag:s7] =	ssyncadd.s32 $0xFFFFFE00  }
0x13: {  	[tilespmem:s9], [sflag:$0x1] =	stream.indirect.gather [hbm4b:s3+s8], $0x80, s2, s8, $0xb8;
	[tilespmem:$0x18200] =	vst v63  }
0x14: {  	_ = 	snop  }
0x15: {  	[tilespmem:s10], [sflag:$0x1] =	stream.indirect.gather [hbm4b:s3+s8], $0x80, s8, s8, $0xb8;
	[tilespmem:$0x18200] =	vst v63  }
0x16: {  	_ = 	snop  }
0x17: {  	[tilespmem:s12], [sflag:$0x1] =	stream.indirect.gather [hbm4b:s3+s8], $0x80, s11, s8, $0xb8;
	[tilespmem:$0x18200] =	vst v63  }
0x18: {  	_ = 	snop  }
0x19: {  	[tilespmem:s14], [sflag:$0x1] =	stream.indirect.gather [hbm4b:s3+s8], $0x80, s13, s8, $0xb8;
	[tilespmem:$0x18200] =	vst v63  }
0x1a: {  	_ =	swait.ge [sflag:s15], $0x4000  }
0x1b: {  	[sflag:s15] =	ssyncset.done $0x0  }
0x1c: {  	[sflag:s15] =	ssyncadd.s32 $0xFFFFC000  }
0x1d: {  	v32 =	vmov s2;
	_ =	swait.ge [sflag:s15], $0x4000  }
0x1e: {  	v32 =	vand.u32 $0x7F, v32;
	[sflag:s15] =	ssyncset.done $0x0  }
0x1f: {  	v32 =	vbroadcast v32, $0x0;
	[sflag:s15] =	ssyncadd.s32 $0xFFFFC000  }
0x20: {  	_ =	swait.ge [sflag:s15], $0x4000  }
0x21: {  	v33 =	vor.u32 v0, v32;
	[sflag:s15] =	ssyncset.done $0x0  }
0x22: {  	[sflag:s15] =	ssyncadd.s32 $0xFFFFC000  }
0x23: {  	_ =	swait.ge [sflag:s15], $0x4000  }
0x24: {  	[sflag:s15] =	ssyncset.done $0x0  }
0x25: {  	[sflag:s15] =	ssyncadd.s32 $0xFFFFC000  }
0x26: {  	v33 =	vld.idx.msk [tilespmem:v33+s9+$0x0], $0xffff  }
0x27: {  	v34 =	vor.u32 v1, v32;
	_ =	sdelay $0x1  }
0x28: {  	s20 =	sand.u32 $0x7000, s2;
	s21 =	sand.u32 $0x380, s2  }
0x29: {  	s20 =	sor.u32 s21, s20  }
0x2a: {  	[tilespmem:s20+$0x10200] =	vst v33  }
0x2b: {  	v33 =	vld.idx.msk [tilespmem:v34+s9+$0x0], $0xffff  }
0x2c: {  	v63 =	vor.u32 v2, v32;
	_ =	sdelay $0x2  }
0x2d: {  	s20 =	sadd.s32 $0x10200, s20  }
0x2e: {  	[tilespmem:s20+$0x10] =	vst v33  }
0x2f: {  	v33 =	vld.idx.msk [tilespmem:v63+s9+$0x0], $0xffff  }
0x30: {  	v36 =	vor.u32 v3, v32;
	_ =	sdelay $0x3  }
0x31: {  	[tilespmem:s20+$0x20] =	vst v33  }
0x32: {  	v33 =	vld.idx.msk [tilespmem:v36+s9+$0x0], $0xffff  }
0x33: {  	v37 =	vor.u32 v4, v32;
	_ =	sdelay $0x3  }
0x34: {  	[tilespmem:s20+$0x30] =	vst v33  }
0x35: {  	v33 =	vld.idx.msk [tilespmem:v37+s9+$0x0], $0xffff  }
0x36: {  	v38 =	vor.u32 v5, v32;
	_ =	sdelay $0x3  }
0x37: {  	[tilespmem:s20+$0x40] =	vst v33  }
0x38: {  	v33 =	vld.idx.msk [tilespmem:v38+s9+$0x0], $0xffff  }
0x39: {  	v39 =	vor.u32 v6, v32;
	_ =	sdelay $0x3  }
0x3a: {  	[tilespmem:s20+$0x50] =	vst v33  }
0x3b: {  	v33 =	vld.idx.msk [tilespmem:v39+s9+$0x0], $0xffff  }
0x3c: {  	v40 =	vor.u32 v7, v32;
	_ =	sdelay $0x3  }
0x3d: {  	[tilespmem:s20+$0x60] =	vst v33  }
0x3e: {  	v33 =	vld.idx.msk [tilespmem:v40+s9+$0x0], $0xffff  }
0x3f: {  	v41 =	vor.u32 v8, v32;
	_ =	sdelay $0x3  }
0x40: {  	[tilespmem:s20+$0x70] =	vst v33  }
0x41: {  	v33 =	vld.idx.msk [tilespmem:v41+s9+$0x0], $0xffff  }
0x42: {  	v42 =	vor.u32 v9, v32;
	_ =	sdelay $0x3  }
0x43: {  	[tilespmem:s20+$0x400] =	vst v33  }
0x44: {  	v33 =	vld.idx.msk [tilespmem:v42+s9+$0x0], $0xffff  }
0x45: {  	v43 =	vor.u32 v10, v32;
	_ =	sdelay $0x3  }
0x46: {  	[tilespmem:s20+$0x410] =	vst v33  }
0x47: {  	v33 =	vld.idx.msk [tilespmem:v43+s9+$0x0], $0xffff  }
0x48: {  	v44 =	vor.u32 v11, v32;
	_ =	sdelay $0x3  }
0x49: {  	[tilespmem:s20+$0x420] =	vst v33  }
0x4a: {  	v33 =	vld.idx.msk [tilespmem:v44+s9+$0x0], $0xffff  }
0x4b: {  	v45 =	vor.u32 v12, v32;
	_ =	sdelay $0x3  }
0x4c: {  	[tilespmem:s20+$0x430] =	vst v33  }
0x4d: {  	v33 =	vld.idx.msk [tilespmem:v45+s9+$0x0], $0xffff  }
0x4e: {  	v46 =	vor.u32 v13, v32;
	_ =	sdelay $0x3  }
0x4f: {  	[tilespmem:s20+$0x440] =	vst v33  }
0x50: {  	v33 =	vld.idx.msk [tilespmem:v46+s9+$0x0], $0xffff  }
0x51: {  	v47 =	vor.u32 v14, v32;
	_ =	sdelay $0x3  }
0x52: {  	[tilespmem:s20+$0x450] =	vst v33  }
0x53: {  	v33 =	vld.idx.msk [tilespmem:v47+s9+$0x0], $0xffff  }
0x54: {  	v48 =	vor.u32 v15, v32;
	_ =	sdelay $0x3  }
0x55: {  	[tilespmem:s20+$0x460] =	vst v33  }
0x56: {  	v33 =	vld.idx.msk [tilespmem:v48+s9+$0x0], $0xffff  }
0x57: {  	v49 =	vor.u32 v16, v32;
	_ =	sdelay $0x3  }
0x58: {  	[tilespmem:s20+$0x470] =	vst v33  }
0x59: {  	v33 =	vld.idx.msk [tilespmem:v49+s9+$0x0], $0xffff  }
0x5a: {  	v50 =	vor.u32 v17, v32;
	_ =	sdelay $0x3  }
0x5b: {  	[tilespmem:s20+$0x800] =	vst v33  }
0x5c: {  	v33 =	vld.idx.msk [tilespmem:v50+s9+$0x0], $0xffff  }
0x5d: {  	v51 =	vor.u32 v18, v32;
	_ =	sdelay $0x3  }
0x5e: {  	[tilespmem:s20+$0x810] =	vst v33  }
0x5f: {  	v33 =	vld.idx.msk [tilespmem:v51+s9+$0x0], $0xffff  }
0x60: {  	v52 =	vor.u32 v19, v32;
	_ =	sdelay $0x3  }
0x61: {  	[tilespmem:s20+$0x820] =	vst v33  }
0x62: {  	v33 =	vld.idx.msk [tilespmem:v52+s9+$0x0], $0xffff  }
0x63: {  	v53 =	vor.u32 v20, v32;
	_ =	sdelay $0x3  }
0x64: {  	[tilespmem:s20+$0x830] =	vst v33  }
0x65: {  	v33 =	vld.idx.msk [tilespmem:v53+s9+$0x0], $0xffff  }
0x66: {  	v54 =	vor.u32 v21, v32;
	_ =	sdelay $0x3  }
0x67: {  	[tilespmem:s20+$0x840] =	vst v33  }
0x68: {  	v33 =	vld.idx.msk [tilespmem:v54+s9+$0x0], $0xffff  }
0x69: {  	v55 =	vor.u32 v22, v32;
	_ =	sdelay $0x3  }
0x6a: {  	[tilespmem:s20+$0x850] =	vst v33  }
0x6b: {  	v33 =	vld.idx.msk [tilespmem:v55+s9+$0x0], $0xffff  }
0x6c: {  	v56 =	vor.u32 v23, v32;
	_ =	sdelay $0x3  }
0x6d: {  	[tilespmem:s20+$0x860] =	vst v33  }
0x6e: {  	v33 =	vld.idx.msk [tilespmem:v56+s9+$0x0], $0xffff  }
0x6f: {  	v57 =	vor.u32 v24, v32;
	_ =	sdelay $0x3  }
0x70: {  	[tilespmem:s20+$0x870] =	vst v33  }
0x71: {  	v33 =	vld.idx.msk [tilespmem:v57+s9+$0x0], $0xffff  }
0x72: {  	v58 =	vor.u32 v25, v32;
	_ =	sdelay $0x3  }
0x73: {  	[tilespmem:s20+$0xC00] =	vst v33  }
0x74: {  	v33 =	vld.idx.msk [tilespmem:v58+s9+$0x0], $0xffff  }
0x75: {  	v59 =	vor.u32 v26, v32;
	_ =	sdelay $0x3  }
0x76: {  	[tilespmem:s20+$0xC10] =	vst v33  }
0x77: {  	v33 =	vld.idx.msk [tilespmem:v59+s9+$0x0], $0xffff  }
0x78: {  	v60 =	vor.u32 v27, v32;
	_ =	sdelay $0x3  }
0x79: {  	[tilespmem:s20+$0xC20] =	vst v33  }
0x7a: {  	v33 =	vld.idx.msk [tilespmem:v60+s9+$0x0], $0xffff  }
0x7b: {  	v61 =	vor.u32 v28, v32;
	_ =	sdelay $0x3  }
0x7c: {  	[tilespmem:s20+$0xC30] =	vst v33  }
0x7d: {  	v33 =	vld.idx.msk [tilespmem:v61+s9+$0x0], $0xffff  }
0x7e: {  	v62 =	vor.u32 v29, v32;
	_ =	sdelay $0x3  }
0x7f: {  	[tilespmem:s20+$0xC40] =	vst v33  }
0x80: {  	v33 =	vld.idx.msk [tilespmem:v62+s9+$0x0], $0xffff  }
0x81: {  	v63 =	vor.u32 v30, v32;
	_ =	sdelay $0x3  }
0x82: {  	[tilespmem:s20+$0xC50] =	vst v33  }
0x83: {  	v34 =	vld.idx.msk [tilespmem:v63+s9+$0x0], $0xffff  }
0x84: {  	v33 =	vor.u32 v31, v32;
	_ =	sdelay $0x1  }
0x85: {  	s31 =	simm.s32 $0x1  }
0x86: {  	s23 =	simm.s32 $0x2;
	s22 =	simm.s32 $0x0;
	s21 =	simm.s32 $0x0;
	v32 =	vmov s31  }
.LBB2_2:
0x87: {  	p0 =	sne.s32 s23, $0x3F;
	v32 =	vand.u32 $0x7F, v32;
	[tilespmem:s20+$0xC60] =	vst v34  }
0x88: {  	v32 =	vbroadcast v32, $0x0;
	v33 =	vld.idx.msk [tilespmem:v33+s9+$0x0], $0xffff;
	_ =	sdelay $0x1  }
0x89: {  	v34 =	vor.u32 v0, v32;
	_ =	sdelay $0x3  }
0x8a: {  	[tilespmem:s20+$0xC70] =	vst v33  }
0x8b: {  	v33 =	vld.idx.msk [tilespmem:v34+s9+$0x0], $0xffff;
	_ =	sdelay $0x1  }
0x8c: {  	v34 =	vor.u32 v1, v32  }
0x8d: {  	s21 =	sadd.s32 $0x80, s21;
	s22 =	sadd.s32 $0x200, s22  }
0x8e: {  	s24 =	sand.u32 $0x380, s21;
	s20 =	sand.u32 $0x7000, s22  }
0x8f: {  	s20 =	sor.u32 s24, s20  }
0x90: {  	[tilespmem:s20+$0x10200] =	vst v33  }
0x91: {  	v33 =	vld.idx.msk [tilespmem:v34+s9+$0x0], $0xffff;
	_ =	sdelay $0x1  }
0x92: {  	v34 =	vor.u32 v2, v32;
	_ =	sdelay $0x2  }
0x93: {  	s20 =	sadd.s32 $0x10200, s20  }
0x94: {  	[tilespmem:s20+$0x10] =	vst v33  }
0x95: {  	v33 =	vld.idx.msk [tilespmem:v34+s9+$0x0], $0xffff;
	_ =	sdelay $0x1  }
0x96: {  	v34 =	vor.u32 v3, v32;
	_ =	sdelay $0x3  }
0x97: {  	[tilespmem:s20+$0x20] =	vst v33  }
0x98: {  	v33 =	vld.idx.msk [tilespmem:v34+s9+$0x0], $0xffff;
	_ =	sdelay $0x1  }
0x99: {  	v34 =	vor.u32 v4, v32;
	_ =	sdelay $0x3  }
0x9a: {  	[tilespmem:s20+$0x30] =	vst v33  }
0x9b: {  	v33 =	vld.idx.msk [tilespmem:v34+s9+$0x0], $0xffff;
	_ =	sdelay $0x1  }
0x9c: {  	v34 =	vor.u32 v5, v32;
	_ =	sdelay $0x3  }
0x9d: {  	[tilespmem:s20+$0x40] =	vst v33  }
0x9e: {  	v33 =	vld.idx.msk [tilespmem:v34+s9+$0x0], $0xffff;
	_ =	sdelay $0x1  }
0x9f: {  	v34 =	vor.u32 v6, v32;
	_ =	sdelay $0x3  }
0xa0: {  	[tilespmem:s20+$0x50] =	vst v33  }
0xa1: {  	v33 =	vld.idx.msk [tilespmem:v34+s9+$0x0], $0xffff;
	_ =	sdelay $0x1  }
0xa2: {  	v34 =	vor.u32 v7, v32;
	_ =	sdelay $0x3  }
0xa3: {  	[tilespmem:s20+$0x60] =	vst v33  }
0xa4: {  	v33 =	vld.idx.msk [tilespmem:v34+s9+$0x0], $0xffff;
	_ =	sdelay $0x1  }
0xa5: {  	v34 =	vor.u32 v8, v32;
	_ =	sdelay $0x3  }
0xa6: {  	[tilespmem:s20+$0x70] =	vst v33  }
0xa7: {  	v33 =	vld.idx.msk [tilespmem:v34+s9+$0x0], $0xffff;
	_ =	sdelay $0x1  }
0xa8: {  	v34 =	vor.u32 v9, v32;
	_ =	sdelay $0x3  }
0xa9: {  	[tilespmem:s20+$0x400] =	vst v33  }
0xaa: {  	v33 =	vld.idx.msk [tilespmem:v34+s9+$0x0], $0xffff;
	_ =	sdelay $0x1  }
0xab: {  	v34 =	vor.u32 v10, v32;
	_ =	sdelay $0x3  }
0xac: {  	[tilespmem:s20+$0x410] =	vst v33  }
0xad: {  	v33 =	vld.idx.msk [tilespmem:v34+s9+$0x0], $0xffff;
	_ =	sdelay $0x1  }
0xae: {  	v34 =	vor.u32 v11, v32;
	_ =	sdelay $0x3  }
0xaf: {  	[tilespmem:s20+$0x420] =	vst v33  }
0xb0: {  	v33 =	vld.idx.msk [tilespmem:v34+s9+$0x0], $0xffff;
	_ =	sdelay $0x1  }
0xb1: {  	v34 =	vor.u32 v12, v32;
	_ =	sdelay $0x3  }
0xb2: {  	[tilespmem:s20+$0x430] =	vst v33  }
0xb3: {  	v33 =	vld.idx.msk [tilespmem:v34+s9+$0x0], $0xffff;
	_ =	sdelay $0x1  }
0xb4: {  	v34 =	vor.u32 v13, v32;
	_ =	sdelay $0x3  }
0xb5: {  	[tilespmem:s20+$0x440] =	vst v33  }
0xb6: {  	v33 =	vld.idx.msk [tilespmem:v34+s9+$0x0], $0xffff;
	_ =	sdelay $0x1  }
0xb7: {  	v34 =	vor.u32 v14, v32;
	_ =	sdelay $0x3  }
0xb8: {  	[tilespmem:s20+$0x450] =	vst v33  }
0xb9: {  	v33 =	vld.idx.msk [tilespmem:v34+s9+$0x0], $0xffff;
	_ =	sdelay $0x1  }
0xba: {  	v34 =	vor.u32 v15, v32;
	_ =	sdelay $0x3  }
0xbb: {  	[tilespmem:s20+$0x460] =	vst v33  }
0xbc: {  	v33 =	vld.idx.msk [tilespmem:v34+s9+$0x0], $0xffff;
	_ =	sdelay $0x1  }
0xbd: {  	v34 =	vor.u32 v16, v32;
	_ =	sdelay $0x3  }
0xbe: {  	[tilespmem:s20+$0x470] =	vst v33  }
0xbf: {  	v33 =	vld.idx.msk [tilespmem:v34+s9+$0x0], $0xffff;
	_ =	sdelay $0x1  }
0xc0: {  	v34 =	vor.u32 v17, v32;
	_ =	sdelay $0x3  }
0xc1: {  	[tilespmem:s20+$0x800] =	vst v33  }
0xc2: {  	v33 =	vld.idx.msk [tilespmem:v34+s9+$0x0], $0xffff;
	_ =	sdelay $0x1  }
0xc3: {  	v34 =	vor.u32 v18, v32;
	_ =	sdelay $0x3  }
0xc4: {  	[tilespmem:s20+$0x810] =	vst v33  }
0xc5: {  	v33 =	vld.idx.msk [tilespmem:v34+s9+$0x0], $0xffff;
	_ =	sdelay $0x1  }
0xc6: {  	v34 =	vor.u32 v19, v32;
	_ =	sdelay $0x3  }
0xc7: {  	[tilespmem:s20+$0x820] =	vst v33  }
0xc8: {  	v33 =	vld.idx.msk [tilespmem:v34+s9+$0x0], $0xffff;
	_ =	sdelay $0x1  }
0xc9: {  	v34 =	vor.u32 v20, v32;
	_ =	sdelay $0x3  }
0xca: {  	[tilespmem:s20+$0x830] =	vst v33  }
0xcb: {  	v33 =	vld.idx.msk [tilespmem:v34+s9+$0x0], $0xffff;
	_ =	sdelay $0x1  }
0xcc: {  	v34 =	vor.u32 v21, v32;
	_ =	sdelay $0x3  }
0xcd: {  	[tilespmem:s20+$0x840] =	vst v33  }
0xce: {  	v33 =	vld.idx.msk [tilespmem:v34+s9+$0x0], $0xffff;
	_ =	sdelay $0x1  }
0xcf: {  	v34 =	vor.u32 v22, v32;
	_ =	sdelay $0x3  }
0xd0: {  	[tilespmem:s20+$0x850] =	vst v33  }
0xd1: {  	v33 =	vld.idx.msk [tilespmem:v34+s9+$0x0], $0xffff;
	_ =	sdelay $0x1  }
0xd2: {  	v34 =	vor.u32 v23, v32;
	_ =	sdelay $0x3  }
0xd3: {  	[tilespmem:s20+$0x860] =	vst v33  }
0xd4: {  	v33 =	vld.idx.msk [tilespmem:v34+s9+$0x0], $0xffff;
	_ =	sdelay $0x1  }
0xd5: {  	v34 =	vor.u32 v24, v32;
	_ =	sdelay $0x3  }
0xd6: {  	[tilespmem:s20+$0x870] =	vst v33  }
0xd7: {  	v33 =	vld.idx.msk [tilespmem:v34+s9+$0x0], $0xffff;
	_ =	sdelay $0x1  }
0xd8: {  	v34 =	vor.u32 v25, v32;
	_ =	sdelay $0x3  }
0xd9: {  	[tilespmem:s20+$0xC00] =	vst v33  }
0xda: {  	v33 =	vld.idx.msk [tilespmem:v34+s9+$0x0], $0xffff;
	_ =	sdelay $0x1  }
0xdb: {  	v34 =	vor.u32 v26, v32;
	_ =	sdelay $0x3  }
0xdc: {  	[tilespmem:s20+$0xC10] =	vst v33  }
0xdd: {  	v33 =	vld.idx.msk [tilespmem:v34+s9+$0x0], $0xffff;
	_ =	sdelay $0x1  }
0xde: {  	v34 =	vor.u32 v27, v32;
	_ =	sdelay $0x3  }
0xdf: {  	[tilespmem:s20+$0xC20] =	vst v33  }
0xe0: {  	v33 =	vld.idx.msk [tilespmem:v34+s9+$0x0], $0xffff;
	_ =	sdelay $0x1  }
0xe1: {  	v34 =	vor.u32 v28, v32;
	_ =	sdelay $0x3  }
0xe2: {  	[tilespmem:s20+$0xC30] =	vst v33  }
0xe3: {  	v33 =	vld.idx.msk [tilespmem:v34+s9+$0x0], $0xffff;
	_ =	sdelay $0x1  }
0xe4: {  	v34 =	vor.u32 v29, v32;
	_ =	sdelay $0x3  }
0xe5: {  	[tilespmem:s20+$0xC40] =	vst v33  }
0xe6: {  	v33 =	vld.idx.msk [tilespmem:v34+s9+$0x0], $0xffff;
	_ =	sdelay $0x1  }
0xe7: {  	v34 =	vor.u32 v30, v32;
	_ =	sdelay $0x3  }
0xe8: {  	[tilespmem:s20+$0xC50] =	vst v33  }
0xe9: {  	v34 =	vld.idx.msk [tilespmem:v34+s9+$0x0], $0xffff  }
.Ltmp0:
0xea: {  	(pc) =	sbr.rel @p0 .LBB2_2-.Ltmp0, $2  }
0xeb: {  	v33 =	vor.u32 v31, v32;
	_ =	sdelay $0x2  }
0xec: {  	v32 =	vmov s23;
	s23 =	sadd.s32 $0x1, s23  }
0xed: {  	_ =	sdelay $0x1  }
0xee: {  	v32 =	vand.u32 $0x7F, v32  }
0xef: {  	[tilespmem:s20+$0xC60] =	vst v34;
	v32 =	vbroadcast v32, $0x0  }
0xf0: {  	v33 =	vld.idx.msk [tilespmem:v33+s9+$0x0], $0xffff  }
0xf1: {  	v61 =	vor.u32 v0, v32;
	_ =	sdelay $0x3  }
0xf2: {  	[tilespmem:s20+$0xC70] =	vst v33  }
0xf3: {  	v33 =	vld.idx.msk [tilespmem:v61+s9+$0x0], $0xffff  }
0xf4: {  	v62 =	vor.u32 v1, v32  }
0xf5: {  	s30 =	sadd.s32 $0x80, s21;
	s31 =	sadd.s32 $0x200, s22  }
0xf6: {  	s21 =	sand.u32 $0x7000, s31;
	s20 =	sand.u32 $0x380, s30  }
0xf7: {  	s20 =	sor.u32 s20, s21  }
0xf8: {  	[tilespmem:s20+$0x10200] =	vst v33  }
0xf9: {  	v33 =	vld.idx.msk [tilespmem:v62+s9+$0x0], $0xffff  }
0xfa: {  	v63 =	vor.u32 v2, v32;
	_ =	sdelay $0x2  }
0xfb: {  	s20 =	sadd.s32 $0x10200, s20  }
0xfc: {  	[tilespmem:s20+$0x10] =	vst v33  }
0xfd: {  	v33 =	vld.idx.msk [tilespmem:v63+s9+$0x0], $0xffff  }
0xfe: {  	v36 =	vor.u32 v3, v32;
	_ =	sdelay $0x3  }
0xff: {  	[tilespmem:s20+$0x20] =	vst v33  }
0x100: {  	v33 =	vld.idx.msk [tilespmem:v36+s9+$0x0], $0xffff  }
0x101: {  	v37 =	vor.u32 v4, v32;
	_ =	sdelay $0x3  }
0x102: {  	[tilespmem:s20+$0x30] =	vst v33  }
0x103: {  	v33 =	vld.idx.msk [tilespmem:v37+s9+$0x0], $0xffff  }
0x104: {  	v38 =	vor.u32 v5, v32;
	_ =	sdelay $0x3  }
0x105: {  	[tilespmem:s20+$0x40] =	vst v33  }
0x106: {  	v33 =	vld.idx.msk [tilespmem:v38+s9+$0x0], $0xffff  }
0x107: {  	v39 =	vor.u32 v6, v32;
	_ =	sdelay $0x3  }
0x108: {  	[tilespmem:s20+$0x50] =	vst v33  }
0x109: {  	v33 =	vld.idx.msk [tilespmem:v39+s9+$0x0], $0xffff  }
0x10a: {  	v40 =	vor.u32 v7, v32;
	_ =	sdelay $0x3  }
0x10b: {  	[tilespmem:s20+$0x60] =	vst v33  }
0x10c: {  	v33 =	vld.idx.msk [tilespmem:v40+s9+$0x0], $0xffff  }
0x10d: {  	v41 =	vor.u32 v8, v32;
	_ =	sdelay $0x3  }
0x10e: {  	[tilespmem:s20+$0x70] =	vst v33  }
0x10f: {  	v33 =	vld.idx.msk [tilespmem:v41+s9+$0x0], $0xffff  }
0x110: {  	v42 =	vor.u32 v9, v32;
	_ =	sdelay $0x3  }
0x111: {  	[tilespmem:s20+$0x400] =	vst v33  }
0x112: {  	v33 =	vld.idx.msk [tilespmem:v42+s9+$0x0], $0xffff  }
0x113: {  	v43 =	vor.u32 v10, v32;
	_ =	sdelay $0x3  }
0x114: {  	[tilespmem:s20+$0x410] =	vst v33  }
0x115: {  	v33 =	vld.idx.msk [tilespmem:v43+s9+$0x0], $0xffff  }
0x116: {  	v44 =	vor.u32 v11, v32;
	_ =	sdelay $0x3  }
0x117: {  	[tilespmem:s20+$0x420] =	vst v33  }
0x118: {  	v33 =	vld.idx.msk [tilespmem:v44+s9+$0x0], $0xffff  }
0x119: {  	v45 =	vor.u32 v12, v32;
	_ =	sdelay $0x3  }
0x11a: {  	[tilespmem:s20+$0x430] =	vst v33  }
0x11b: {  	v33 =	vld.idx.msk [tilespmem:v45+s9+$0x0], $0xffff  }
0x11c: {  	v46 =	vor.u32 v13, v32;
	_ =	sdelay $0x3  }
0x11d: {  	[tilespmem:s20+$0x440] =	vst v33  }
0x11e: {  	v33 =	vld.idx.msk [tilespmem:v46+s9+$0x0], $0xffff  }
0x11f: {  	v47 =	vor.u32 v14, v32;
	_ =	sdelay $0x3  }
0x120: {  	[tilespmem:s20+$0x450] =	vst v33  }
0x121: {  	v33 =	vld.idx.msk [tilespmem:v47+s9+$0x0], $0xffff  }
0x122: {  	v48 =	vor.u32 v15, v32;
	_ =	sdelay $0x3  }
0x123: {  	[tilespmem:s20+$0x460] =	vst v33  }
0x124: {  	v33 =	vld.idx.msk [tilespmem:v48+s9+$0x0], $0xffff  }
0x125: {  	v49 =	vor.u32 v16, v32;
	_ =	sdelay $0x3  }
0x126: {  	[tilespmem:s20+$0x470] =	vst v33  }
0x127: {  	v33 =	vld.idx.msk [tilespmem:v49+s9+$0x0], $0xffff  }
0x128: {  	v50 =	vor.u32 v17, v32;
	_ =	sdelay $0x3  }
0x129: {  	[tilespmem:s20+$0x800] =	vst v33  }
0x12a: {  	v33 =	vld.idx.msk [tilespmem:v50+s9+$0x0], $0xffff  }
0x12b: {  	v51 =	vor.u32 v18, v32;
	_ =	sdelay $0x3  }
0x12c: {  	[tilespmem:s20+$0x810] =	vst v33  }
0x12d: {  	v33 =	vld.idx.msk [tilespmem:v51+s9+$0x0], $0xffff  }
0x12e: {  	v52 =	vor.u32 v19, v32;
	_ =	sdelay $0x3  }
0x12f: {  	[tilespmem:s20+$0x820] =	vst v33  }
0x130: {  	v33 =	vld.idx.msk [tilespmem:v52+s9+$0x0], $0xffff  }
0x131: {  	v53 =	vor.u32 v20, v32;
	_ =	sdelay $0x3  }
0x132: {  	[tilespmem:s20+$0x830] =	vst v33  }
0x133: {  	v33 =	vld.idx.msk [tilespmem:v53+s9+$0x0], $0xffff  }
0x134: {  	v54 =	vor.u32 v21, v32;
	_ =	sdelay $0x3  }
0x135: {  	[tilespmem:s20+$0x840] =	vst v33  }
0x136: {  	v33 =	vld.idx.msk [tilespmem:v54+s9+$0x0], $0xffff  }
0x137: {  	v55 =	vor.u32 v22, v32;
	_ =	sdelay $0x3  }
0x138: {  	[tilespmem:s20+$0x850] =	vst v33  }
0x139: {  	v33 =	vld.idx.msk [tilespmem:v55+s9+$0x0], $0xffff  }
0x13a: {  	v56 =	vor.u32 v23, v32;
	_ =	sdelay $0x3  }
0x13b: {  	[tilespmem:s20+$0x860] =	vst v33  }
0x13c: {  	v33 =	vld.idx.msk [tilespmem:v56+s9+$0x0], $0xffff  }
0x13d: {  	v57 =	vor.u32 v24, v32;
	_ =	sdelay $0x3  }
0x13e: {  	[tilespmem:s20+$0x870] =	vst v33  }
0x13f: {  	v33 =	vld.idx.msk [tilespmem:v57+s9+$0x0], $0xffff  }
0x140: {  	v58 =	vor.u32 v25, v32;
	_ =	sdelay $0x3  }
0x141: {  	[tilespmem:s20+$0xC00] =	vst v33  }
0x142: {  	v33 =	vld.idx.msk [tilespmem:v58+s9+$0x0], $0xffff  }
0x143: {  	v59 =	vor.u32 v26, v32;
	_ =	sdelay $0x3  }
0x144: {  	[tilespmem:s20+$0xC10] =	vst v33  }
0x145: {  	v33 =	vld.idx.msk [tilespmem:v59+s9+$0x0], $0xffff  }
0x146: {  	v60 =	vor.u32 v27, v32;
	_ =	sdelay $0x3  }
0x147: {  	[tilespmem:s20+$0xC20] =	vst v33  }
0x148: {  	v33 =	vld.idx.msk [tilespmem:v60+s9+$0x0], $0xffff  }
0x149: {  	v61 =	vor.u32 v28, v32;
	_ =	sdelay $0x3  }
0x14a: {  	[tilespmem:s20+$0xC30] =	vst v33  }
0x14b: {  	v33 =	vld.idx.msk [tilespmem:v61+s9+$0x0], $0xffff  }
0x14c: {  	v62 =	vor.u32 v29, v32;
	_ =	sdelay $0x3  }
0x14d: {  	[tilespmem:s20+$0xC40] =	vst v33  }
0x14e: {  	v33 =	vld.idx.msk [tilespmem:v62+s9+$0x0], $0xffff  }
0x14f: {  	v63 =	vor.u32 v30, v32;
	_ =	sdelay $0x3  }
0x150: {  	[tilespmem:s20+$0xC50] =	vst v33  }
0x151: {  	v33 =	vld.idx.msk [tilespmem:v63+s9+$0x0], $0xffff  }
0x152: {  	v32 =	vor.u32 v31, v32;
	_ =	sdelay $0x3  }
0x153: {  	[tilespmem:s20+$0xC60] =	vst v33  }
0x154: {  	v32 =	vld.idx.msk [tilespmem:v32+s9+$0x0], $0xffff;
	_ =	sdelay $0x2  }
0x155: {  	s19 =	sadd.s32 $0x1, s19  }
0x156: {  	p0 =	sne.s32 s19, s6  }
.Ltmp1:
0x157: {  	[tilespmem:s20+$0xC70] =	vst v32;
	(pc) =	sbr.rel @p0 .LBB2_1-.Ltmp1, $4  }
0x158: {  	[hbm4b:s5+s16] =	stream.strided.scatter [tilespmem:s18], [sflag:$0x2], $0x8000, s17, s16, $0x38;
	[tilespmem:$0x18200] =	vst v63  }
0x159: {  	_ =	swait.ge [sflag:s7], $0x8000  }
0x15a: {  	[sflag:s7] =	ssyncset.done $0x0  }
0x15b: {  	[sflag:s7] =	ssyncadd.s32 $0xFFFF8000  }
0x15c: {  	_ =	sfence.sel $0x180000  }
0x15d: {  	[bflag:$0x0] =	sbarrier.arrive $0xFFFF  }
0x15e: {  	p0 =	sne.s32 s1, $0x0;
	_ =	strace $0x90000047  }
0x15f: {  	s0 =	sadd.s32 @!p0 $0x100000, s0;
	[bflag:$0x2] =	sbarrier.arrive $0xFFFF  }
0x160: {  	[sflag:s0] =	ssyncadd.tile.s32 @!p0 $0x1;
	_ =	shalt  }
.Lfunc_end2:
_tile_overlayer_lowered:
.L_overlay_start_2:
0x161: {  	(tag) =	ssettag $0x2  }
0x162: {  	s0 =	rddreg [dreg:$0x0];
	s2 =	stileid.u32  }
0x163: {  	s1 =	rddreg [dreg:$0x1];
	p0 =	sne.s32 s2, $0x0  }
0x164: {  	s3 =	rddreg [dreg:$0x2];
	[bflag:$0x3] =	sbarrier.arrive $0xFFFF;
	s2 =	simm.s32 @!p0 $0x1C02  }
0x165: {  	[timem:s3], [sflag:s2] =	dma.local @!p0 [hbm:s0], s1  }
0x166: {  	s0 =	simm.s32 @!p0 $0x2  }
0x167: {  	_ =	swait.ge @!p0 [sflag:s0], s1  }
0x168: {  	s1 =	ssub.s32 @!p0 $0x0, s1;
	[sflag:s0] =	ssyncset.done @!p0 $0x0  }
0x169: {  	[sflag:s0] =	ssyncadd.s32 @!p0 s1  }
0x16a: {  	[bflag:$0x3] =	sbarrier.arrive $0xFFFF  }
0x16b: {  	_ =	shalt  }

</sc_bundles>
